<compile_context>
chip_gen: v7x
topology: tpu7x:2x2x1
jax: 0.10.2.dev20260603
libtpu: 0.0.44.dev20260713+nightly
codegen_flags: <defaults>
</compile_context>

<pallas_src>
import functools

import jax
import jax.numpy as jnp
from jax import lax
from jax.experimental import pallas as pl
from jax.experimental.pallas import tpu as pltpu
from jax.experimental.pallas import tpu_sc as plsc

N = 10000
E = 320000
H = 128
S = 16
EA = 16
HID = 128
MSG = 64

NC = 2
NS = 16
NW = NC * NS
EPW = E // NW
GC = 80
NCHUNK = EPW // GC

_MESH = plsc.VectorSubcoreMesh(core_axis_name="c", subcore_axis_name="s")
_SC_PARAMS = pltpu.CompilerParams(use_tc_tiling_on_sc=False)


MAIN = NCHUNK - (NCHUNK % 2)


def _gather_body(h_hbm, xs_hbm, src_hbm, dst_hbm,
                 hj_out, hi_out, xj_out, xi_out,
                 si0, si1, di0, di1, hj0, hj1, hi0, hi1, xj0, xj1, xi0, xi1,
                 semg0, semg1, semo0, semo1):
    c = lax.axis_index("c")
    s = lax.axis_index("s")
    wid = s * NC + c
    base = wid * EPW

    sib = (si0, si1)
    dib = (di0, di1)
    hjb = (hj0, hj1)
    hib = (hi0, hi1)
    xjb = (xj0, xj1)
    xib = (xi0, xi1)
    semg = (semg0, semg1)
    semo = (semo0, semo1)

    def load_idx(ci, b):
        off = base + ci * GC
        pltpu.sync_copy(src_hbm.at[pl.ds(off, GC)], sib[b])
        pltpu.sync_copy(dst_hbm.at[pl.ds(off, GC)], dib[b])

    def fire(b):
        pltpu.async_copy(h_hbm.at[sib[b]], hjb[b], semg[b])
        pltpu.async_copy(h_hbm.at[dib[b]], hib[b], semg[b])
        pltpu.async_copy(xs_hbm.at[sib[b]], xjb[b], semg[b])
        pltpu.async_copy(xs_hbm.at[dib[b]], xib[b], semg[b])

    def wait_gather(b):
        pltpu.make_async_copy(h_hbm.at[sib[b]], hjb[b], semg[b]).wait()
        pltpu.make_async_copy(h_hbm.at[dib[b]], hib[b], semg[b]).wait()
        pltpu.make_async_copy(xs_hbm.at[sib[b]], xjb[b], semg[b]).wait()
        pltpu.make_async_copy(xs_hbm.at[dib[b]], xib[b], semg[b]).wait()

    def fire_out(ci, b):
        off = base + ci * GC
        pltpu.async_copy(hjb[b], hj_out.at[pl.ds(off, GC)], semo[b])
        pltpu.async_copy(hib[b], hi_out.at[pl.ds(off, GC)], semo[b])
        pltpu.async_copy(xjb[b], xj_out.at[pl.ds(off, GC)], semo[b])
        pltpu.async_copy(xib[b], xi_out.at[pl.ds(off, GC)], semo[b])

    def wait_out(b):
        pltpu.make_async_copy(hjb[b], hj_out.at[pl.ds(base, GC)], semo[b]).wait()
        pltpu.make_async_copy(hib[b], hi_out.at[pl.ds(base, GC)], semo[b]).wait()
        pltpu.make_async_copy(xjb[b], xj_out.at[pl.ds(base, GC)], semo[b]).wait()
        pltpu.make_async_copy(xib[b], xi_out.at[pl.ds(base, GC)], semo[b]).wait()

    def pair(j, carry):
        a = 2 * j
        load_idx(a, 0)
        load_idx(a + 1, 1)
        fire(0)
        fire(1)
        wait_gather(0)
        fire_out(a, 0)
        wait_gather(1)
        fire_out(a + 1, 1)
        wait_out(0)
        wait_out(1)
        return carry

    lax.fori_loop(0, MAIN // 2, pair, 0)

    def tail(i, carry):
        load_idx(i, 0)
        fire(0)
        wait_gather(0)
        fire_out(i, 0)
        wait_out(0)
        return carry

    lax.fori_loop(MAIN, NCHUNK, tail, 0)


_sc_gather = pl.kernel(
    _gather_body,
    out_type=[
        jax.ShapeDtypeStruct((E, H), jnp.float32),
        jax.ShapeDtypeStruct((E, H), jnp.float32),
        jax.ShapeDtypeStruct((E, S), jnp.float32),
        jax.ShapeDtypeStruct((E, S), jnp.float32),
    ],
    mesh=_MESH,
    scratch_types=[
        pltpu.VMEM((GC,), jnp.int32),
        pltpu.VMEM((GC,), jnp.int32),
        pltpu.VMEM((GC,), jnp.int32),
        pltpu.VMEM((GC,), jnp.int32),
        pltpu.VMEM((GC, H), jnp.float32),
        pltpu.VMEM((GC, H), jnp.float32),
        pltpu.VMEM((GC, H), jnp.float32),
        pltpu.VMEM((GC, H), jnp.float32),
        pltpu.VMEM((GC, S), jnp.float32),
        pltpu.VMEM((GC, S), jnp.float32),
        pltpu.VMEM((GC, S), jnp.float32),
        pltpu.VMEM((GC, S), jnp.float32),
        pltpu.SemaphoreType.DMA,
        pltpu.SemaphoreType.DMA,
        pltpu.SemaphoreType.DMA,
        pltpu.SemaphoreType.DMA,
    ],
    compiler_params=_SC_PARAMS,
)


def _scatter_body(m_hbm, dst_hbm, zeros_hbm, out_hbm,
                  di0, di1, m0, m1, acc, seml0, seml1):
    c = lax.axis_index("c")
    s = lax.axis_index("s")
    wid = s * NC + c
    base = wid * EPW

    dib = (di0, di1)
    mb = (m0, m1)
    seml = (seml0, seml1)

    @pl.when(s == 0)
    def _init():
        pltpu.sync_copy(zeros_hbm, acc)

    plsc.subcore_barrier()

    def fire_load(ci, b):
        off = base + ci * GC
        pltpu.async_copy(dst_hbm.at[pl.ds(off, GC)], dib[b], seml[b])
        pltpu.async_copy(m_hbm.at[pl.ds(off, GC)], mb[b], seml[b])

    def wait_load(b):
        pltpu.make_async_copy(dst_hbm.at[pl.ds(base, GC)], dib[b], seml[b]).wait()
        pltpu.make_async_copy(m_hbm.at[pl.ds(base, GC)], mb[b], seml[b]).wait()

    def add(b):
        pltpu.sync_copy(mb[b], acc.at[dib[b]], add=True)

    def pair(j, carry):
        a = 2 * j
        fire_load(a, 0)
        fire_load(a + 1, 1)
        wait_load(0)
        add(0)
        wait_load(1)
        add(1)
        return carry

    lax.fori_loop(0, MAIN // 2, pair, 0)

    def tail(i, carry):
        fire_load(i, 0)
        wait_load(0)
        add(0)
        return carry

    lax.fori_loop(MAIN, NCHUNK, tail, 0)

    plsc.subcore_barrier()

    @pl.when(s == 0)
    def _emit():
        pltpu.sync_copy(acc, out_hbm.at[c])


_sc_scatter = pl.kernel(
    _scatter_body,
    out_type=jax.ShapeDtypeStruct((NC, N, MSG), jnp.float32),
    mesh=_MESH,
    scratch_types=[
        pltpu.VMEM((GC,), jnp.int32),
        pltpu.VMEM((GC,), jnp.int32),
        pltpu.VMEM((GC, MSG), jnp.float32),
        pltpu.VMEM((GC, MSG), jnp.float32),
        pltpu.VMEM_SHARED((N, MSG), jnp.float32),
        pltpu.SemaphoreType.DMA,
        pltpu.SemaphoreType.DMA,
    ],
    compiler_params=_SC_PARAMS,
)


BE = 3200


def _edge_mlp_body(hj, hi, xj, xi, ea,
                   W_es1, b_es1, W_es2, b_es2, W_bw, b_bw,
                   W_g1, b_g1, W_g2, b_g2, W_p1, b_p1, W_p2, b_p2,
                   m_out):
    f32 = jnp.float32
    dot = functools.partial(jnp.dot, preferred_element_type=f32)

    w1 = W_es1[...]
    z1 = (dot(ea[...], w1[0:EA, :]) + dot(xj[...], w1[EA:EA + S, :])
          + dot(xi[...], w1[EA + S:, :]) + b_es1[...])
    w_c = dot(W_es2[...], W_bw[...])
    c0 = dot(b_es2[...], W_bw[...]) + b_bw[...]
    t = dot(jax.nn.relu(z1), w_c) + c0
    b_e = jax.nn.softplus(t)

    bf16 = jnp.bfloat16
    hj16 = hj[...].astype(bf16)
    hi16 = hi[...].astype(bf16)
    wg = W_g1[...]
    a = dot(hj16, wg[0:H, :]) + dot(hi16, wg[H:, :]) + b_g1[...]
    g_e = jax.nn.sigmoid(dot(jax.nn.relu(a), W_g2[...]) + b_g2[...])

    v = (dot(jax.nn.relu(dot(hj16, W_p1[...]) + b_p1[...]),
             W_p2[...]) + b_p2[...])
    m_out[...] = b_e * g_e * v


def _edge_mlp(hj, hi, xj, xi, ea, W_es1, b_es1, W_es2, b_es2, W_bw, b_bw,
              W_g1, b_g1, W_g2, b_g2, W_p1, b_p1, W_p2, b_p2):
    grid = (E // BE,)

    def eb(width):
        return pl.BlockSpec((BE, width), lambda i: (i, 0))

    def full(shape):
        return pl.BlockSpec(shape, lambda i: tuple(0 for _ in shape))

    return pl.pallas_call(
        _edge_mlp_body,
        grid=grid,
        in_specs=[
            eb(H), eb(H), eb(S), eb(S), eb(EA),
            full((EA + 2 * S, HID)), full((1, HID)),
            full((HID, HID)), full((1, HID)),
            full((HID, 1)), full((1, 1)),
            full((2 * H, HID)), full((1, HID)),
            full((HID, 1)), full((1, 1)),
            full((H, HID)), full((1, HID)),
            full((HID, MSG)), full((1, MSG)),
        ],
        out_specs=eb(MSG),
        out_shape=jax.ShapeDtypeStruct((E, MSG), jnp.float32),
    )(hj, hi, xj, xi, ea, W_es1, b_es1, W_es2, b_es2, W_bw, b_bw,
      W_g1, b_g1, W_g2, b_g2, W_p1, b_p1, W_p2, b_p2)


def _combine_body(p, out):
    out[...] = p[0] + p[1]


def _combine(partials):
    return pl.pallas_call(
        _combine_body,
        out_shape=jax.ShapeDtypeStruct((N, MSG), jnp.float32),
    )(partials)


def kernel(h, x_static, edge_attr_static, edge_index,
           W_es1, b_es1, W_es2, b_es2, W_bw, b_bw,
           W_g1, b_g1, W_g2, b_g2, W_p1, b_p1, W_p2, b_p2):
    src = edge_index[0]
    dst = edge_index[1]

    hj, hi, xj, xi = _sc_gather(h, x_static, src, dst)

    m = _edge_mlp(
        hj, hi, xj, xi, edge_attr_static,
        W_es1, b_es1.reshape(1, HID), W_es2, b_es2.reshape(1, HID),
        W_bw, b_bw.reshape(1, 1),
        W_g1.astype(jnp.bfloat16), b_g1.reshape(1, HID), W_g2,
        b_g2.reshape(1, 1),
        W_p1.astype(jnp.bfloat16), b_p1.reshape(1, HID), W_p2,
        b_p2.reshape(1, MSG))

    zeros = jnp.zeros((N, MSG), jnp.float32)
    partials = _sc_scatter(m, dst, zeros)
    return _combine(partials)

# --- scband reference (transcript-rebuilt; emitter-appended) ---
"""Pipeline reference for scband-hetero-transport-cell-29076928594593 (READ-ONLY COPY).

The authoritative reference and input builder live on the scoring server;
editing this copy changes nothing except your own understanding.
"""

import jax, jax.numpy as jnp
import numpy as np

N = 10000
E = 320000
H = 128
S = 16
EA = 16
HID = 128
MSG = 64


def _mlp(x, W1, b1, W2, b2):
    return jax.nn.relu(x @ W1 + b1) @ W2 + b2


def setup_inputs(seed: int = 0) -> dict:
    key = jax.random.key(seed)
    ks = jax.random.split(key, 24)

    def w(k, shape):
        return jax.random.normal(k, shape, jnp.float32) / np.sqrt(shape[0])

    inp = {}
    inp['h'] = jax.random.normal(ks[0], (N, H), jnp.float32)
    inp['x_static'] = jax.random.normal(ks[1], (N, S), jnp.float32)
    inp['edge_attr_static'] = jax.random.normal(ks[2], (E, EA), jnp.float32)
    inp['edge_index'] = jax.random.randint(ks[3], (2, E), 0, N, dtype=jnp.int32)
    inp['W_es1'] = w(ks[4], (EA + 2 * S, HID)); inp['b_es1'] = jnp.zeros((HID,), jnp.float32)
    inp['W_es2'] = w(ks[5], (HID, HID)); inp['b_es2'] = jnp.zeros((HID,), jnp.float32)
    inp['W_bw'] = w(ks[6], (HID, 1)); inp['b_bw'] = jnp.zeros((1,), jnp.float32)
    inp['W_g1'] = w(ks[7], (2 * H, HID)); inp['b_g1'] = jnp.zeros((HID,), jnp.float32)
    inp['W_g2'] = w(ks[8], (HID, 1)); inp['b_g2'] = jnp.zeros((1,), jnp.float32)
    inp['W_p1'] = w(ks[9], (H, HID)); inp['b_p1'] = jnp.zeros((HID,), jnp.float32)
    inp['W_p2'] = w(ks[10], (HID, MSG)); inp['b_p2'] = jnp.zeros((MSG,), jnp.float32)
    return inp


def reference(h, x_static, edge_attr_static, edge_index, W_es1, b_es1, W_es2, b_es2, W_bw, b_bw, W_g1, b_g1, W_g2, b_g2, W_p1, b_p1, W_p2, b_p2):
    src = edge_index[0]
    dst = edge_index[1]
    # per-edge gathers (SparseCore-friendly)
    h_j = jnp.take(h, src, axis=0)
    h_i = jnp.take(h, dst, axis=0)
    xs_j = jnp.take(x_static, src, axis=0)
    xs_i = jnp.take(x_static, dst, axis=0)
    # static coupling embedding -> softplus base weight
    static_cat = jnp.concatenate([edge_attr_static, xs_j, xs_i], axis=-1)
    u_e = _mlp(static_cat, W_es1, b_es1, W_es2, b_es2)
    b_e = jax.nn.softplus(u_e @ W_bw + b_bw)
    # dynamic gate from endpoint hidden states
    gate_in = jnp.concatenate([h_j, h_i], axis=-1)
    g_e = jax.nn.sigmoid(_mlp(gate_in, W_g1, b_g1, W_g2, b_g2))
    # payload from source hidden state
    v = _mlp(h_j, W_p1, b_p1, W_p2, b_p2)
    m = b_e * g_e * v
    # aggr='add' scatter into destination nodes
    M = jax.ops.segment_sum(m, dst, num_segments=N)
    return M

if __name__ == "__main__":
    import jax
    _d = setup_inputs()
    print(jax.jit(kernel)(*tuple(_d.values())))

</pallas_src>

<mosaic_0001>
#map = affine_map<(d0, d1) -> (0, 0)>
#map1 = affine_map<(d0, d1) -> (0)>
module attributes {stable_mosaic.version = 14 : i64} {
  func.func @_gather_body(%arg0: i32, %arg1: i32, %arg2: memref<10000x128xf32, #tpu.memory_space<hbm>>, %arg3: memref<10000x16xf32, #tpu.memory_space<hbm>>, %arg4: memref<320000xi32, #tpu.memory_space<hbm>>, %arg5: memref<320000xi32, #tpu.memory_space<hbm>>, %arg6: memref<320000x128xf32, #tpu.memory_space<hbm>>, %arg7: memref<320000x128xf32, #tpu.memory_space<hbm>>, %arg8: memref<320000x16xf32, #tpu.memory_space<hbm>>, %arg9: memref<320000x16xf32, #tpu.memory_space<hbm>>, %arg10: memref<80xi32, #tpu.memory_space<vmem>>, %arg11: memref<80xi32, #tpu.memory_space<vmem>>, %arg12: memref<80xi32, #tpu.memory_space<vmem>>, %arg13: memref<80xi32, #tpu.memory_space<vmem>>, %arg14: memref<80x128xf32, #tpu.memory_space<vmem>>, %arg15: memref<80x128xf32, #tpu.memory_space<vmem>>, %arg16: memref<80x128xf32, #tpu.memory_space<vmem>>, %arg17: memref<80x128xf32, #tpu.memory_space<vmem>>, %arg18: memref<80x16xf32, #tpu.memory_space<vmem>>, %arg19: memref<80x16xf32, #tpu.memory_space<vmem>>, %arg20: memref<80x16xf32, #tpu.memory_space<vmem>>, %arg21: memref<80x16xf32, #tpu.memory_space<vmem>>, %arg22: memref<!tpu.dma_semaphore, #tpu.memory_space<semaphore_mem>>, %arg23: memref<!tpu.dma_semaphore, #tpu.memory_space<semaphore_mem>>, %arg24: memref<!tpu.dma_semaphore, #tpu.memory_space<semaphore_mem>>, %arg25: memref<!tpu.dma_semaphore, #tpu.memory_space<semaphore_mem>>) attributes {dimension_semantics = [#tpu.dimension_semantics<core_parallel>, #tpu.dimension_semantics<subcore_parallel>], iteration_bounds = array<i64: 2, 16>, scalar_prefetch = 0 : i64, scratch_operands = 16 : i64, tpu.core_type = #tpu.core_type<sc_vector_subcore>, window_params = [{transform_indices = #map}, {transform_indices = #map}, {transform_indices = #map1}, {transform_indices = #map1}, {transform_indices = #map}, {transform_indices = #map}, {transform_indices = #map}, {transform_indices = #map}]} {
    %mul3A = arith.constant 2 : i32
    %mul3A_0 = arith.muli %arg1, %mul3A : i32
    %add3A = arith.addi %mul3A_0, %arg0 : i32
    %mul3A_1 = arith.constant 10000 : i32
    %mul3A_2 = arith.muli %add3A, %mul3A_1 : i32
    %scan3A = arith.constant 0 : i32
    %scan3A_3 = arith.constant 0 : i32
    %scan3A_4 = arith.constant 62 : i32
    %scan3A_5 = arith.addi %scan3A_3, %scan3A_4 : i32
    %scan3A_6 = arith.constant 1 : i32
    scf.for %scan3A_71 = %scan3A_3 to %scan3A_5 step %scan3A_6  : i32 {
      %mul3A_72 = arith.constant 2 : i32
      %mul3A_73 = arith.muli %mul3A_72, %scan3A_71 : i32
      %mul3A_74 = arith.constant 80 : i32
      %mul3A_75 = arith.muli %mul3A_73, %mul3A_74 : i32
      %add3A_76 = arith.addi %mul3A_2, %mul3A_75 : i32
      "tpu.region"() ({
        %run_scoped3A = tpu.sem_alloc : memref<!tpu.dma_semaphore, #tpu.memory_space<semaphore_mem>>
        %dma_start3A_202 = tpu.memref_slice %arg4[%add3A_76] : memref<320000xi32, #tpu.memory_space<hbm>> -> memref<80xi32, #tpu.memory_space<hbm>>
        %dma_start3A_203 = tpu.memref_slice %arg4[%add3A_76] : memref<320000xi32, #tpu.memory_space<hbm>> -> memref<80xi32, #tpu.memory_space<hbm>>
        tpu.enqueue_dma source(%dma_start3A_203 : memref<80xi32, #tpu.memory_space<hbm>>) target(%arg10 : memref<80xi32, #tpu.memory_space<vmem>>) target_semaphore(%run_scoped3A : memref<!tpu.dma_semaphore, #tpu.memory_space<semaphore_mem>>)
        %dma_wait3A_204 = tpu.memref_slice %arg4[%add3A_76] : memref<320000xi32, #tpu.memory_space<hbm>> -> memref<80xi32, #tpu.memory_space<hbm>>
        %dma_wait3A_205 = tpu.memref_slice %arg4[%add3A_76] : memref<320000xi32, #tpu.memory_space<hbm>> -> memref<80xi32, #tpu.memory_space<hbm>>
        tpu.wait_dma2 semaphore(%run_scoped3A : memref<!tpu.dma_semaphore, #tpu.memory_space<semaphore_mem>>) src(%dma_wait3A_205 : memref<80xi32, #tpu.memory_space<hbm>>) dst(%arg10 : memref<80xi32, #tpu.memory_space<vmem>>)
        tpu.yield
      }) : () -> ()
      "tpu.region"() ({
        %run_scoped3A = tpu.sem_alloc : memref<!tpu.dma_semaphore, #tpu.memory_space<semaphore_mem>>
        %dma_start3A_202 = tpu.memref_slice %arg5[%add3A_76] : memref<320000xi32, #tpu.memory_space<hbm>> -> memref<80xi32, #tpu.memory_space<hbm>>
        %dma_start3A_203 = tpu.memref_slice %arg5[%add3A_76] : memref<320000xi32, #tpu.memory_space<hbm>> -> memref<80xi32, #tpu.memory_space<hbm>>
        tpu.enqueue_dma source(%dma_start3A_203 : memref<80xi32, #tpu.memory_space<hbm>>) target(%arg12 : memref<80xi32, #tpu.memory_space<vmem>>) target_semaphore(%run_scoped3A : memref<!tpu.dma_semaphore, #tpu.memory_space<semaphore_mem>>)
        %dma_wait3A_204 = tpu.memref_slice %arg5[%add3A_76] : memref<320000xi32, #tpu.memory_space<hbm>> -> memref<80xi32, #tpu.memory_space<hbm>>
        %dma_wait3A_205 = tpu.memref_slice %arg5[%add3A_76] : memref<320000xi32, #tpu.memory_space<hbm>> -> memref<80xi32, #tpu.memory_space<hbm>>
        tpu.wait_dma2 semaphore(%run_scoped3A : memref<!tpu.dma_semaphore, #tpu.memory_space<semaphore_mem>>) src(%dma_wait3A_205 : memref<80xi32, #tpu.memory_space<hbm>>) dst(%arg12 : memref<80xi32, #tpu.memory_space<vmem>>)
        tpu.yield
      }) : () -> ()
      %add3A_77 = arith.constant 1 : i32
      %add3A_78 = arith.addi %mul3A_73, %add3A_77 : i32
      %mul3A_79 = arith.constant 80 : i32
      %mul3A_80 = arith.muli %add3A_78, %mul3A_79 : i32
      %add3A_81 = arith.addi %mul3A_2, %mul3A_80 : i32
      "tpu.region"() ({
        %run_scoped3A = tpu.sem_alloc : memref<!tpu.dma_semaphore, #tpu.memory_space<semaphore_mem>>
        %dma_start3A_202 = tpu.memref_slice %arg4[%add3A_81] : memref<320000xi32, #tpu.memory_space<hbm>> -> memref<80xi32, #tpu.memory_space<hbm>>
        %dma_start3A_203 = tpu.memref_slice %arg4[%add3A_81] : memref<320000xi32, #tpu.memory_space<hbm>> -> memref<80xi32, #tpu.memory_space<hbm>>
        tpu.enqueue_dma source(%dma_start3A_203 : memref<80xi32, #tpu.memory_space<hbm>>) target(%arg11 : memref<80xi32, #tpu.memory_space<vmem>>) target_semaphore(%run_scoped3A : memref<!tpu.dma_semaphore, #tpu.memory_space<semaphore_mem>>)
        %dma_wait3A_204 = tpu.memref_slice %arg4[%add3A_81] : memref<320000xi32, #tpu.memory_space<hbm>> -> memref<80xi32, #tpu.memory_space<hbm>>
        %dma_wait3A_205 = tpu.memref_slice %arg4[%add3A_81] : memref<320000xi32, #tpu.memory_space<hbm>> -> memref<80xi32, #tpu.memory_space<hbm>>
        tpu.wait_dma2 semaphore(%run_scoped3A : memref<!tpu.dma_semaphore, #tpu.memory_space<semaphore_mem>>) src(%dma_wait3A_205 : memref<80xi32, #tpu.memory_space<hbm>>) dst(%arg11 : memref<80xi32, #tpu.memory_space<vmem>>)
        tpu.yield
      }) : () -> ()
      "tpu.region"() ({
        %run_scoped3A = tpu.sem_alloc : memref<!tpu.dma_semaphore, #tpu.memory_space<semaphore_mem>>
        %dma_start3A_202 = tpu.memref_slice %arg5[%add3A_81] : memref<320000xi32, #tpu.memory_space<hbm>> -> memref<80xi32, #tpu.memory_space<hbm>>
        %dma_start3A_203 = tpu.memref_slice %arg5[%add3A_81] : memref<320000xi32, #tpu.memory_space<hbm>> -> memref<80xi32, #tpu.memory_space<hbm>>
        tpu.enqueue_dma source(%dma_start3A_203 : memref<80xi32, #tpu.memory_space<hbm>>) target(%arg13 : memref<80xi32, #tpu.memory_space<vmem>>) target_semaphore(%run_scoped3A : memref<!tpu.dma_semaphore, #tpu.memory_space<semaphore_mem>>)
        %dma_wait3A_204 = tpu.memref_slice %arg5[%add3A_81] : memref<320000xi32, #tpu.memory_space<hbm>> -> memref<80xi32, #tpu.memory_space<hbm>>
        %dma_wait3A_205 = tpu.memref_slice %arg5[%add3A_81] : memref<320000xi32, #tpu.memory_space<hbm>> -> memref<80xi32, #tpu.memory_space<hbm>>
        tpu.wait_dma2 semaphore(%run_scoped3A : memref<!tpu.dma_semaphore, #tpu.memory_space<semaphore_mem>>) src(%dma_wait3A_205 : memref<80xi32, #tpu.memory_space<hbm>>) dst(%arg13 : memref<80xi32, #tpu.memory_space<vmem>>)
        tpu.yield
      }) : () -> ()
      %dma_start3A_82 = arith.constant 0 : i32
      %dma_start3A_83 = arith.constant 0 : i32
      %dma_start3A_84 = tpu.memref_slice %arg2[%dma_start3A_82, %dma_start3A_83] : memref<10000x128xf32, #tpu.memory_space<hbm>> -> memref<10000x128xf32, #tpu.memory_space<hbm>>
      tpu.enqueue_indirect_dma source(%dma_start3A_84 : memref<10000x128xf32, #tpu.memory_space<hbm>>) target(%arg14 : memref<80x128xf32, #tpu.memory_space<vmem>>) offsets(%arg10 : memref<80xi32, #tpu.memory_space<vmem>>) semaphore(%arg22 : memref<!tpu.dma_semaphore, #tpu.memory_space<semaphore_mem>>)
      %dma_start3A_85 = arith.constant 0 : i32
      %dma_start3A_86 = arith.constant 0 : i32
      %dma_start3A_87 = tpu.memref_slice %arg2[%dma_start3A_85, %dma_start3A_86] : memref<10000x128xf32, #tpu.memory_space<hbm>> -> memref<10000x128xf32, #tpu.memory_space<hbm>>
      tpu.enqueue_indirect_dma source(%dma_start3A_87 : memref<10000x128xf32, #tpu.memory_space<hbm>>) target(%arg16 : memref<80x128xf32, #tpu.memory_space<vmem>>) offsets(%arg12 : memref<80xi32, #tpu.memory_space<vmem>>) semaphore(%arg22 : memref<!tpu.dma_semaphore, #tpu.memory_space<semaphore_mem>>)
      %dma_start3A_88 = arith.constant 0 : i32
      %dma_start3A_89 = arith.constant 0 : i32
      %dma_start3A_90 = tpu.memref_slice %arg3[%dma_start3A_88, %dma_start3A_89] : memref<10000x16xf32, #tpu.memory_space<hbm>> -> memref<10000x16xf32, #tpu.memory_space<hbm>>
      tpu.enqueue_indirect_dma source(%dma_start3A_90 : memref<10000x16xf32, #tpu.memory_space<hbm>>) target(%arg18 : memref<80x16xf32, #tpu.memory_space<vmem>>) offsets(%arg10 : memref<80xi32, #tpu.memory_space<vmem>>) semaphore(%arg22 : memref<!tpu.dma_semaphore, #tpu.memory_space<semaphore_mem>>)
      %dma_start3A_91 = arith.constant 0 : i32
      %dma_start3A_92 = arith.constant 0 : i32
      %dma_start3A_93 = tpu.memref_slice %arg3[%dma_start3A_91, %dma_start3A_92] : memref<10000x16xf32, #tpu.memory_space<hbm>> -> memref<10000x16xf32, #tpu.memory_space<hbm>>
      tpu.enqueue_indirect_dma source(%dma_start3A_93 : memref<10000x16xf32, #tpu.memory_space<hbm>>) target(%arg20 : memref<80x16xf32, #tpu.memory_space<vmem>>) offsets(%arg12 : memref<80xi32, #tpu.memory_space<vmem>>) semaphore(%arg22 : memref<!tpu.dma_semaphore, #tpu.memory_space<semaphore_mem>>)
      %dma_start3A_94 = arith.constant 0 : i32
      %dma_start3A_95 = arith.constant 0 : i32
      %dma_start3A_96 = tpu.memref_slice %arg2[%dma_start3A_94, %dma_start3A_95] : memref<10000x128xf32, #tpu.memory_space<hbm>> -> memref<10000x128xf32, #tpu.memory_space<hbm>>
      tpu.enqueue_indirect_dma source(%dma_start3A_96 : memref<10000x128xf32, #tpu.memory_space<hbm>>) target(%arg15 : memref<80x128xf32, #tpu.memory_space<vmem>>) offsets(%arg11 : memref<80xi32, #tpu.memory_space<vmem>>) semaphore(%arg23 : memref<!tpu.dma_semaphore, #tpu.memory_space<semaphore_mem>>)
      %dma_start3A_97 = arith.constant 0 : i32
      %dma_start3A_98 = arith.constant 0 : i32
      %dma_start3A_99 = tpu.memref_slice %arg2[%dma_start3A_97, %dma_start3A_98] : memref<10000x128xf32, #tpu.memory_space<hbm>> -> memref<10000x128xf32, #tpu.memory_space<hbm>>
      tpu.enqueue_indirect_dma source(%dma_start3A_99 : memref<10000x128xf32, #tpu.memory_space<hbm>>) target(%arg17 : memref<80x128xf32, #tpu.memory_space<vmem>>) offsets(%arg13 : memref<80xi32, #tpu.memory_space<vmem>>) semaphore(%arg23 : memref<!tpu.dma_semaphore, #tpu.memory_space<semaphore_mem>>)
      %dma_start3A_100 = arith.constant 0 : i32
      %dma_start3A_101 = arith.constant 0 : i32
      %dma_start3A_102 = tpu.memref_slice %arg3[%dma_start3A_100, %dma_start3A_101] : memref<10000x16xf32, #tpu.memory_space<hbm>> -> memref<10000x16xf32, #tpu.memory_space<hbm>>
      tpu.enqueue_indirect_dma source(%dma_start3A_102 : memref<10000x16xf32, #tpu.memory_space<hbm>>) target(%arg19 : memref<80x16xf32, #tpu.memory_space<vmem>>) offsets(%arg11 : memref<80xi32, #tpu.memory_space<vmem>>) semaphore(%arg23 : memref<!tpu.dma_semaphore, #tpu.memory_space<semaphore_mem>>)
      %dma_start3A_103 = arith.constant 0 : i32
      %dma_start3A_104 = arith.constant 0 : i32
      %dma_start3A_105 = tpu.memref_slice %arg3[%dma_start3A_103, %dma_start3A_104] : memref<10000x16xf32, #tpu.memory_space<hbm>> -> memref<10000x16xf32, #tpu.memory_space<hbm>>
      tpu.enqueue_indirect_dma source(%dma_start3A_105 : memref<10000x16xf32, #tpu.memory_space<hbm>>) target(%arg21 : memref<80x16xf32, #tpu.memory_space<vmem>>) offsets(%arg13 : memref<80xi32, #tpu.memory_space<vmem>>) semaphore(%arg23 : memref<!tpu.dma_semaphore, #tpu.memory_space<semaphore_mem>>)
      %dma_wait3A_106 = arith.constant 0 : i32
      %dma_wait3A_107 = arith.constant 0 : i32
      %dma_wait3A_108 = tpu.memref_slice %arg2[%dma_wait3A_106, %dma_wait3A_107] : memref<10000x128xf32, #tpu.memory_space<hbm>> -> memref<10000x128xf32, #tpu.memory_space<hbm>>
      tpu.wait_indirect_dma semaphore(%arg22 : memref<!tpu.dma_semaphore, #tpu.memory_space<semaphore_mem>>) src(%dma_wait3A_108 : memref<10000x128xf32, #tpu.memory_space<hbm>>) dst(%arg14 : memref<80x128xf32, #tpu.memory_space<vmem>>)
      %dma_wait3A_109 = arith.constant 0 : i32
      %dma_wait3A_110 = arith.constant 0 : i32
      %dma_wait3A_111 = tpu.memref_slice %arg2[%dma_wait3A_109, %dma_wait3A_110] : memref<10000x128xf32, #tpu.memory_space<hbm>> -> memref<10000x128xf32, #tpu.memory_space<hbm>>
      tpu.wait_indirect_dma semaphore(%arg22 : memref<!tpu.dma_semaphore, #tpu.memory_space<semaphore_mem>>) src(%dma_wait3A_111 : memref<10000x128xf32, #tpu.memory_space<hbm>>) dst(%arg16 : memref<80x128xf32, #tpu.memory_space<vmem>>)
      %dma_wait3A_112 = arith.constant 0 : i32
      %dma_wait3A_113 = arith.constant 0 : i32
      %dma_wait3A_114 = tpu.memref_slice %arg3[%dma_wait3A_112, %dma_wait3A_113] : memref<10000x16xf32, #tpu.memory_space<hbm>> -> memref<10000x16xf32, #tpu.memory_space<hbm>>
      tpu.wait_indirect_dma semaphore(%arg22 : memref<!tpu.dma_semaphore, #tpu.memory_space<semaphore_mem>>) src(%dma_wait3A_114 : memref<10000x16xf32, #tpu.memory_space<hbm>>) dst(%arg18 : memref<80x16xf32, #tpu.memory_space<vmem>>)
      %dma_wait3A_115 = arith.constant 0 : i32
      %dma_wait3A_116 = arith.constant 0 : i32
      %dma_wait3A_117 = tpu.memref_slice %arg3[%dma_wait3A_115, %dma_wait3A_116] : memref<10000x16xf32, #tpu.memory_space<hbm>> -> memref<10000x16xf32, #tpu.memory_space<hbm>>
      tpu.wait_indirect_dma semaphore(%arg22 : memref<!tpu.dma_semaphore, #tpu.memory_space<semaphore_mem>>) src(%dma_wait3A_117 : memref<10000x16xf32, #tpu.memory_space<hbm>>) dst(%arg20 : memref<80x16xf32, #tpu.memory_space<vmem>>)
      %mul3A_118 = arith.constant 80 : i32
      %mul3A_119 = arith.muli %mul3A_73, %mul3A_118 : i32
      %add3A_120 = arith.addi %mul3A_2, %mul3A_119 : i32
      %dma_start3A_121 = arith.constant 0 : i32
      %dma_start3A_122 = tpu.memref_slice %arg6[%add3A_120, %dma_start3A_121] : memref<320000x128xf32, #tpu.memory_space<hbm>> -> memref<80x128xf32, #tpu.memory_space<hbm>>
      %dma_start3A_123 = arith.constant 0 : i32
      %dma_start3A_124 = tpu.memref_slice %arg6[%add3A_120, %dma_start3A_123] : memref<320000x128xf32, #tpu.memory_space<hbm>> -> memref<80x128xf32, #tpu.memory_space<hbm>>
      tpu.enqueue_dma source(%arg14 : memref<80x128xf32, #tpu.memory_space<vmem>>) target(%dma_start3A_124 : memref<80x128xf32, #tpu.memory_space<hbm>>) target_semaphore(%arg24 : memref<!tpu.dma_semaphore, #tpu.memory_space<semaphore_mem>>)
      %dma_start3A_125 = arith.constant 0 : i32
      %dma_start3A_126 = tpu.memref_slice %arg7[%add3A_120, %dma_start3A_125] : memref<320000x128xf32, #tpu.memory_space<hbm>> -> memref<80x128xf32, #tpu.memory_space<hbm>>
      %dma_start3A_127 = arith.constant 0 : i32
      %dma_start3A_128 = tpu.memref_slice %arg7[%add3A_120, %dma_start3A_127] : memref<320000x128xf32, #tpu.memory_space<hbm>> -> memref<80x128xf32, #tpu.memory_space<hbm>>
      tpu.enqueue_dma source(%arg16 : memref<80x128xf32, #tpu.memory_space<vmem>>) target(%dma_start3A_128 : memref<80x128xf32, #tpu.memory_space<hbm>>) target_semaphore(%arg24 : memref<!tpu.dma_semaphore, #tpu.memory_space<semaphore_mem>>)
      %dma_start3A_129 = arith.constant 0 : i32
      %dma_start3A_130 = tpu.memref_slice %arg8[%add3A_120, %dma_start3A_129] : memref<320000x16xf32, #tpu.memory_space<hbm>> -> memref<80x16xf32, #tpu.memory_space<hbm>>
      %dma_start3A_131 = arith.constant 0 : i32
      %dma_start3A_132 = tpu.memref_slice %arg8[%add3A_120, %dma_start3A_131] : memref<320000x16xf32, #tpu.memory_space<hbm>> -> memref<80x16xf32, #tpu.memory_space<hbm>>
      tpu.enqueue_dma source(%arg18 : memref<80x16xf32, #tpu.memory_space<vmem>>) target(%dma_start3A_132 : memref<80x16xf32, #tpu.memory_space<hbm>>) target_semaphore(%arg24 : memref<!tpu.dma_semaphore, #tpu.memory_space<semaphore_mem>>)
      %dma_start3A_133 = arith.constant 0 : i32
      %dma_start3A_134 = tpu.memref_slice %arg9[%add3A_120, %dma_start3A_133] : memref<320000x16xf32, #tpu.memory_space<hbm>> -> memref<80x16xf32, #tpu.memory_space<hbm>>
      %dma_start3A_135 = arith.constant 0 : i32
      %dma_start3A_136 = tpu.memref_slice %arg9[%add3A_120, %dma_start3A_135] : memref<320000x16xf32, #tpu.memory_space<hbm>> -> memref<80x16xf32, #tpu.memory_space<hbm>>
      tpu.enqueue_dma source(%arg20 : memref<80x16xf32, #tpu.memory_space<vmem>>) target(%dma_start3A_136 : memref<80x16xf32, #tpu.memory_space<hbm>>) target_semaphore(%arg24 : memref<!tpu.dma_semaphore, #tpu.memory_space<semaphore_mem>>)
      %dma_wait3A_137 = arith.constant 0 : i32
      %dma_wait3A_138 = arith.constant 0 : i32
      %dma_wait3A_139 = tpu.memref_slice %arg2[%dma_wait3A_137, %dma_wait3A_138] : memref<10000x128xf32, #tpu.memory_space<hbm>> -> memref<10000x128xf32, #tpu.memory_space<hbm>>
      tpu.wait_indirect_dma semaphore(%arg23 : memref<!tpu.dma_semaphore, #tpu.memory_space<semaphore_mem>>) src(%dma_wait3A_139 : memref<10000x128xf32, #tpu.memory_space<hbm>>) dst(%arg15 : memref<80x128xf32, #tpu.memory_space<vmem>>)
      %dma_wait3A_140 = arith.constant 0 : i32
      %dma_wait3A_141 = arith.constant 0 : i32
      %dma_wait3A_142 = tpu.memref_slice %arg2[%dma_wait3A_140, %dma_wait3A_141] : memref<10000x128xf32, #tpu.memory_space<hbm>> -> memref<10000x128xf32, #tpu.memory_space<hbm>>
      tpu.wait_indirect_dma semaphore(%arg23 : memref<!tpu.dma_semaphore, #tpu.memory_space<semaphore_mem>>) src(%dma_wait3A_142 : memref<10000x128xf32, #tpu.memory_space<hbm>>) dst(%arg17 : memref<80x128xf32, #tpu.memory_space<vmem>>)
      %dma_wait3A_143 = arith.constant 0 : i32
      %dma_wait3A_144 = arith.constant 0 : i32
      %dma_wait3A_145 = tpu.memref_slice %arg3[%dma_wait3A_143, %dma_wait3A_144] : memref<10000x16xf32, #tpu.memory_space<hbm>> -> memref<10000x16xf32, #tpu.memory_space<hbm>>
      tpu.wait_indirect_dma semaphore(%arg23 : memref<!tpu.dma_semaphore, #tpu.memory_space<semaphore_mem>>) src(%dma_wait3A_145 : memref<10000x16xf32, #tpu.memory_space<hbm>>) dst(%arg19 : memref<80x16xf32, #tpu.memory_space<vmem>>)
      %dma_wait3A_146 = arith.constant 0 : i32
      %dma_wait3A_147 = arith.constant 0 : i32
      %dma_wait3A_148 = tpu.memref_slice %arg3[%dma_wait3A_146, %dma_wait3A_147] : memref<10000x16xf32, #tpu.memory_space<hbm>> -> memref<10000x16xf32, #tpu.memory_space<hbm>>
      tpu.wait_indirect_dma semaphore(%arg23 : memref<!tpu.dma_semaphore, #tpu.memory_space<semaphore_mem>>) src(%dma_wait3A_148 : memref<10000x16xf32, #tpu.memory_space<hbm>>) dst(%arg21 : memref<80x16xf32, #tpu.memory_space<vmem>>)
      %add3A_149 = arith.constant 1 : i32
      %add3A_150 = arith.addi %mul3A_73, %add3A_149 : i32
      %mul3A_151 = arith.constant 80 : i32
      %mul3A_152 = arith.muli %add3A_150, %mul3A_151 : i32
      %add3A_153 = arith.addi %mul3A_2, %mul3A_152 : i32
      %dma_start3A_154 = arith.constant 0 : i32
      %dma_start3A_155 = tpu.memref_slice %arg6[%add3A_153, %dma_start3A_154] : memref<320000x128xf32, #tpu.memory_space<hbm>> -> memref<80x128xf32, #tpu.memory_space<hbm>>
      %dma_start3A_156 = arith.constant 0 : i32
      %dma_start3A_157 = tpu.memref_slice %arg6[%add3A_153, %dma_start3A_156] : memref<320000x128xf32, #tpu.memory_space<hbm>> -> memref<80x128xf32, #tpu.memory_space<hbm>>
      tpu.enqueue_dma source(%arg15 : memref<80x128xf32, #tpu.memory_space<vmem>>) target(%dma_start3A_157 : memref<80x128xf32, #tpu.memory_space<hbm>>) target_semaphore(%arg25 : memref<!tpu.dma_semaphore, #tpu.memory_space<semaphore_mem>>)
      %dma_start3A_158 = arith.constant 0 : i32
      %dma_start3A_159 = tpu.memref_slice %arg7[%add3A_153, %dma_start3A_158] : memref<320000x128xf32, #tpu.memory_space<hbm>> -> memref<80x128xf32, #tpu.memory_space<hbm>>
      %dma_start3A_160 = arith.constant 0 : i32
      %dma_start3A_161 = tpu.memref_slice %arg7[%add3A_153, %dma_start3A_160] : memref<320000x128xf32, #tpu.memory_space<hbm>> -> memref<80x128xf32, #tpu.memory_space<hbm>>
      tpu.enqueue_dma source(%arg17 : memref<80x128xf32, #tpu.memory_space<vmem>>) target(%dma_start3A_161 : memref<80x128xf32, #tpu.memory_space<hbm>>) target_semaphore(%arg25 : memref<!tpu.dma_semaphore, #tpu.memory_space<semaphore_mem>>)
      %dma_start3A_162 = arith.constant 0 : i32
      %dma_start3A_163 = tpu.memref_slice %arg8[%add3A_153, %dma_start3A_162] : memref<320000x16xf32, #tpu.memory_space<hbm>> -> memref<80x16xf32, #tpu.memory_space<hbm>>
      %dma_start3A_164 = arith.constant 0 : i32
      %dma_start3A_165 = tpu.memref_slice %arg8[%add3A_153, %dma_start3A_164] : memref<320000x16xf32, #tpu.memory_space<hbm>> -> memref<80x16xf32, #tpu.memory_space<hbm>>
      tpu.enqueue_dma source(%arg19 : memref<80x16xf32, #tpu.memory_space<vmem>>) target(%dma_start3A_165 : memref<80x16xf32, #tpu.memory_space<hbm>>) target_semaphore(%arg25 : memref<!tpu.dma_semaphore, #tpu.memory_space<semaphore_mem>>)
      %dma_start3A_166 = arith.constant 0 : i32
      %dma_start3A_167 = tpu.memref_slice %arg9[%add3A_153, %dma_start3A_166] : memref<320000x16xf32, #tpu.memory_space<hbm>> -> memref<80x16xf32, #tpu.memory_space<hbm>>
      %dma_start3A_168 = arith.constant 0 : i32
      %dma_start3A_169 = tpu.memref_slice %arg9[%add3A_153, %dma_start3A_168] : memref<320000x16xf32, #tpu.memory_space<hbm>> -> memref<80x16xf32, #tpu.memory_space<hbm>>
      tpu.enqueue_dma source(%arg21 : memref<80x16xf32, #tpu.memory_space<vmem>>) target(%dma_start3A_169 : memref<80x16xf32, #tpu.memory_space<hbm>>) target_semaphore(%arg25 : memref<!tpu.dma_semaphore, #tpu.memory_space<semaphore_mem>>)
      %dma_wait3A_170 = arith.constant 0 : i32
      %dma_wait3A_171 = tpu.memref_slice %arg6[%mul3A_2, %dma_wait3A_170] : memref<320000x128xf32, #tpu.memory_space<hbm>> -> memref<80x128xf32, #tpu.memory_space<hbm>>
      %dma_wait3A_172 = arith.constant 0 : i32
      %dma_wait3A_173 = tpu.memref_slice %arg6[%mul3A_2, %dma_wait3A_172] : memref<320000x128xf32, #tpu.memory_space<hbm>> -> memref<80x128xf32, #tpu.memory_space<hbm>>
      tpu.wait_dma2 semaphore(%arg24 : memref<!tpu.dma_semaphore, #tpu.memory_space<semaphore_mem>>) src(%arg14 : memref<80x128xf32, #tpu.memory_space<vmem>>) dst(%dma_wait3A_173 : memref<80x128xf32, #tpu.memory_space<hbm>>)
      %dma_wait3A_174 = arith.constant 0 : i32
      %dma_wait3A_175 = tpu.memref_slice %arg7[%mul3A_2, %dma_wait3A_174] : memref<320000x128xf32, #tpu.memory_space<hbm>> -> memref<80x128xf32, #tpu.memory_space<hbm>>
      %dma_wait3A_176 = arith.constant 0 : i32
      %dma_wait3A_177 = tpu.memref_slice %arg7[%mul3A_2, %dma_wait3A_176] : memref<320000x128xf32, #tpu.memory_space<hbm>> -> memref<80x128xf32, #tpu.memory_space<hbm>>
      tpu.wait_dma2 semaphore(%arg24 : memref<!tpu.dma_semaphore, #tpu.memory_space<semaphore_mem>>) src(%arg16 : memref<80x128xf32, #tpu.memory_space<vmem>>) dst(%dma_wait3A_177 : memref<80x128xf32, #tpu.memory_space<hbm>>)
      %dma_wait3A_178 = arith.constant 0 : i32
      %dma_wait3A_179 = tpu.memref_slice %arg8[%mul3A_2, %dma_wait3A_178] : memref<320000x16xf32, #tpu.memory_space<hbm>> -> memref<80x16xf32, #tpu.memory_space<hbm>>
      %dma_wait3A_180 = arith.constant 0 : i32
      %dma_wait3A_181 = tpu.memref_slice %arg8[%mul3A_2, %dma_wait3A_180] : memref<320000x16xf32, #tpu.memory_space<hbm>> -> memref<80x16xf32, #tpu.memory_space<hbm>>
      tpu.wait_dma2 semaphore(%arg24 : memref<!tpu.dma_semaphore, #tpu.memory_space<semaphore_mem>>) src(%arg18 : memref<80x16xf32, #tpu.memory_space<vmem>>) dst(%dma_wait3A_181 : memref<80x16xf32, #tpu.memory_space<hbm>>)
      %dma_wait3A_182 = arith.constant 0 : i32
      %dma_wait3A_183 = tpu.memref_slice %arg9[%mul3A_2, %dma_wait3A_182] : memref<320000x16xf32, #tpu.memory_space<hbm>> -> memref<80x16xf32, #tpu.memory_space<hbm>>
      %dma_wait3A_184 = arith.constant 0 : i32
      %dma_wait3A_185 = tpu.memref_slice %arg9[%mul3A_2, %dma_wait3A_184] : memref<320000x16xf32, #tpu.memory_space<hbm>> -> memref<80x16xf32, #tpu.memory_space<hbm>>
      tpu.wait_dma2 semaphore(%arg24 : memref<!tpu.dma_semaphore, #tpu.memory_space<semaphore_mem>>) src(%arg20 : memref<80x16xf32, #tpu.memory_space<vmem>>) dst(%dma_wait3A_185 : memref<80x16xf32, #tpu.memory_space<hbm>>)
      %dma_wait3A_186 = arith.constant 0 : i32
      %dma_wait3A_187 = tpu.memref_slice %arg6[%mul3A_2, %dma_wait3A_186] : memref<320000x128xf32, #tpu.memory_space<hbm>> -> memref<80x128xf32, #tpu.memory_space<hbm>>
      %dma_wait3A_188 = arith.constant 0 : i32
      %dma_wait3A_189 = tpu.memref_slice %arg6[%mul3A_2, %dma_wait3A_188] : memref<320000x128xf32, #tpu.memory_space<hbm>> -> memref<80x128xf32, #tpu.memory_space<hbm>>
      tpu.wait_dma2 semaphore(%arg25 : memref<!tpu.dma_semaphore, #tpu.memory_space<semaphore_mem>>) src(%arg15 : memref<80x128xf32, #tpu.memory_space<vmem>>) dst(%dma_wait3A_189 : memref<80x128xf32, #tpu.memory_space<hbm>>)
      %dma_wait3A_190 = arith.constant 0 : i32
      %dma_wait3A_191 = tpu.memref_slice %arg7[%mul3A_2, %dma_wait3A_190] : memref<320000x128xf32, #tpu.memory_space<hbm>> -> memref<80x128xf32, #tpu.memory_space<hbm>>
      %dma_wait3A_192 = arith.constant 0 : i32
      %dma_wait3A_193 = tpu.memref_slice %arg7[%mul3A_2, %dma_wait3A_192] : memref<320000x128xf32, #tpu.memory_space<hbm>> -> memref<80x128xf32, #tpu.memory_space<hbm>>
      tpu.wait_dma2 semaphore(%arg25 : memref<!tpu.dma_semaphore, #tpu.memory_space<semaphore_mem>>) src(%arg17 : memref<80x128xf32, #tpu.memory_space<vmem>>) dst(%dma_wait3A_193 : memref<80x128xf32, #tpu.memory_space<hbm>>)
      %dma_wait3A_194 = arith.constant 0 : i32
      %dma_wait3A_195 = tpu.memref_slice %arg8[%mul3A_2, %dma_wait3A_194] : memref<320000x16xf32, #tpu.memory_space<hbm>> -> memref<80x16xf32, #tpu.memory_space<hbm>>
      %dma_wait3A_196 = arith.constant 0 : i32
      %dma_wait3A_197 = tpu.memref_slice %arg8[%mul3A_2, %dma_wait3A_196] : memref<320000x16xf32, #tpu.memory_space<hbm>> -> memref<80x16xf32, #tpu.memory_space<hbm>>
      tpu.wait_dma2 semaphore(%arg25 : memref<!tpu.dma_semaphore, #tpu.memory_space<semaphore_mem>>) src(%arg19 : memref<80x16xf32, #tpu.memory_space<vmem>>) dst(%dma_wait3A_197 : memref<80x16xf32, #tpu.memory_space<hbm>>)
      %dma_wait3A_198 = arith.constant 0 : i32
      %dma_wait3A_199 = tpu.memref_slice %arg9[%mul3A_2, %dma_wait3A_198] : memref<320000x16xf32, #tpu.memory_space<hbm>> -> memref<80x16xf32, #tpu.memory_space<hbm>>
      %dma_wait3A_200 = arith.constant 0 : i32
      %dma_wait3A_201 = tpu.memref_slice %arg9[%mul3A_2, %dma_wait3A_200] : memref<320000x16xf32, #tpu.memory_space<hbm>> -> memref<80x16xf32, #tpu.memory_space<hbm>>
      tpu.wait_dma2 semaphore(%arg25 : memref<!tpu.dma_semaphore, #tpu.memory_space<semaphore_mem>>) src(%arg21 : memref<80x16xf32, #tpu.memory_space<vmem>>) dst(%dma_wait3A_201 : memref<80x16xf32, #tpu.memory_space<hbm>>)
    }
    %scan3A_7 = arith.constant 62 : i32
    %scan3A_8 = arith.constant 0 : i32
    %scan3A_9 = arith.constant 124 : i32
    %mul3A_10 = arith.constant 80 : i32
    %mul3A_11 = arith.muli %scan3A_9, %mul3A_10 : i32
    %add3A_12 = arith.addi %mul3A_2, %mul3A_11 : i32
    "tpu.region"() ({
      %run_scoped3A = tpu.sem_alloc : memref<!tpu.dma_semaphore, #tpu.memory_space<semaphore_mem>>
      %dma_start3A_71 = tpu.memref_slice %arg4[%add3A_12] : memref<320000xi32, #tpu.memory_space<hbm>> -> memref<80xi32, #tpu.memory_space<hbm>>
      %dma_start3A_72 = tpu.memref_slice %arg4[%add3A_12] : memref<320000xi32, #tpu.memory_space<hbm>> -> memref<80xi32, #tpu.memory_space<hbm>>
      tpu.enqueue_dma source(%dma_start3A_72 : memref<80xi32, #tpu.memory_space<hbm>>) target(%arg10 : memref<80xi32, #tpu.memory_space<vmem>>) target_semaphore(%run_scoped3A : memref<!tpu.dma_semaphore, #tpu.memory_space<semaphore_mem>>)
      %dma_wait3A_73 = tpu.memref_slice %arg4[%add3A_12] : memref<320000xi32, #tpu.memory_space<hbm>> -> memref<80xi32, #tpu.memory_space<hbm>>
      %dma_wait3A_74 = tpu.memref_slice %arg4[%add3A_12] : memref<320000xi32, #tpu.memory_space<hbm>> -> memref<80xi32, #tpu.memory_space<hbm>>
      tpu.wait_dma2 semaphore(%run_scoped3A : memref<!tpu.dma_semaphore, #tpu.memory_space<semaphore_mem>>) src(%dma_wait3A_74 : memref<80xi32, #tpu.memory_space<hbm>>) dst(%arg10 : memref<80xi32, #tpu.memory_space<vmem>>)
      tpu.yield
    }) : () -> ()
    "tpu.region"() ({
      %run_scoped3A = tpu.sem_alloc : memref<!tpu.dma_semaphore, #tpu.memory_space<semaphore_mem>>
      %dma_start3A_71 = tpu.memref_slice %arg5[%add3A_12] : memref<320000xi32, #tpu.memory_space<hbm>> -> memref<80xi32, #tpu.memory_space<hbm>>
      %dma_start3A_72 = tpu.memref_slice %arg5[%add3A_12] : memref<320000xi32, #tpu.memory_space<hbm>> -> memref<80xi32, #tpu.memory_space<hbm>>
      tpu.enqueue_dma source(%dma_start3A_72 : memref<80xi32, #tpu.memory_space<hbm>>) target(%arg12 : memref<80xi32, #tpu.memory_space<vmem>>) target_semaphore(%run_scoped3A : memref<!tpu.dma_semaphore, #tpu.memory_space<semaphore_mem>>)
      %dma_wait3A_73 = tpu.memref_slice %arg5[%add3A_12] : memref<320000xi32, #tpu.memory_space<hbm>> -> memref<80xi32, #tpu.memory_space<hbm>>
      %dma_wait3A_74 = tpu.memref_slice %arg5[%add3A_12] : memref<320000xi32, #tpu.memory_space<hbm>> -> memref<80xi32, #tpu.memory_space<hbm>>
      tpu.wait_dma2 semaphore(%run_scoped3A : memref<!tpu.dma_semaphore, #tpu.memory_space<semaphore_mem>>) src(%dma_wait3A_74 : memref<80xi32, #tpu.memory_space<hbm>>) dst(%arg12 : memref<80xi32, #tpu.memory_space<vmem>>)
      tpu.yield
    }) : () -> ()
    %dma_start3A = arith.constant 0 : i32
    %dma_start3A_13 = arith.constant 0 : i32
    %dma_start3A_14 = tpu.memref_slice %arg2[%dma_start3A, %dma_start3A_13] : memref<10000x128xf32, #tpu.memory_space<hbm>> -> memref<10000x128xf32, #tpu.memory_space<hbm>>
    tpu.enqueue_indirect_dma source(%dma_start3A_14 : memref<10000x128xf32, #tpu.memory_space<hbm>>) target(%arg14 : memref<80x128xf32, #tpu.memory_space<vmem>>) offsets(%arg10 : memref<80xi32, #tpu.memory_space<vmem>>) semaphore(%arg22 : memref<!tpu.dma_semaphore, #tpu.memory_space<semaphore_mem>>)
    %dma_start3A_15 = arith.constant 0 : i32
    %dma_start3A_16 = arith.constant 0 : i32
    %dma_start3A_17 = tpu.memref_slice %arg2[%dma_start3A_15, %dma_start3A_16] : memref<10000x128xf32, #tpu.memory_space<hbm>> -> memref<10000x128xf32, #tpu.memory_space<hbm>>
    tpu.enqueue_indirect_dma source(%dma_start3A_17 : memref<10000x128xf32, #tpu.memory_space<hbm>>) target(%arg16 : memref<80x128xf32, #tpu.memory_space<vmem>>) offsets(%arg12 : memref<80xi32, #tpu.memory_space<vmem>>) semaphore(%arg22 : memref<!tpu.dma_semaphore, #tpu.memory_space<semaphore_mem>>)
    %dma_start3A_18 = arith.constant 0 : i32
    %dma_start3A_19 = arith.constant 0 : i32
    %dma_start3A_20 = tpu.memref_slice %arg3[%dma_start3A_18, %dma_start3A_19] : memref<10000x16xf32, #tpu.memory_space<hbm>> -> memref<10000x16xf32, #tpu.memory_space<hbm>>
    tpu.enqueue_indirect_dma source(%dma_start3A_20 : memref<10000x16xf32, #tpu.memory_space<hbm>>) target(%arg18 : memref<80x16xf32, #tpu.memory_space<vmem>>) offsets(%arg10 : memref<80xi32, #tpu.memory_space<vmem>>) semaphore(%arg22 : memref<!tpu.dma_semaphore, #tpu.memory_space<semaphore_mem>>)
    %dma_start3A_21 = arith.constant 0 : i32
    %dma_start3A_22 = arith.constant 0 : i32
    %dma_start3A_23 = tpu.memref_slice %arg3[%dma_start3A_21, %dma_start3A_22] : memref<10000x16xf32, #tpu.memory_space<hbm>> -> memref<10000x16xf32, #tpu.memory_space<hbm>>
    tpu.enqueue_indirect_dma source(%dma_start3A_23 : memref<10000x16xf32, #tpu.memory_space<hbm>>) target(%arg20 : memref<80x16xf32, #tpu.memory_space<vmem>>) offsets(%arg12 : memref<80xi32, #tpu.memory_space<vmem>>) semaphore(%arg22 : memref<!tpu.dma_semaphore, #tpu.memory_space<semaphore_mem>>)
    %dma_wait3A = arith.constant 0 : i32
    %dma_wait3A_24 = arith.constant 0 : i32
    %dma_wait3A_25 = tpu.memref_slice %arg2[%dma_wait3A, %dma_wait3A_24] : memref<10000x128xf32, #tpu.memory_space<hbm>> -> memref<10000x128xf32, #tpu.memory_space<hbm>>
    tpu.wait_indirect_dma semaphore(%arg22 : memref<!tpu.dma_semaphore, #tpu.memory_space<semaphore_mem>>) src(%dma_wait3A_25 : memref<10000x128xf32, #tpu.memory_space<hbm>>) dst(%arg14 : memref<80x128xf32, #tpu.memory_space<vmem>>)
    %dma_wait3A_26 = arith.constant 0 : i32
    %dma_wait3A_27 = arith.constant 0 : i32
    %dma_wait3A_28 = tpu.memref_slice %arg2[%dma_wait3A_26, %dma_wait3A_27] : memref<10000x128xf32, #tpu.memory_space<hbm>> -> memref<10000x128xf32, #tpu.memory_space<hbm>>
    tpu.wait_indirect_dma semaphore(%arg22 : memref<!tpu.dma_semaphore, #tpu.memory_space<semaphore_mem>>) src(%dma_wait3A_28 : memref<10000x128xf32, #tpu.memory_space<hbm>>) dst(%arg16 : memref<80x128xf32, #tpu.memory_space<vmem>>)
    %dma_wait3A_29 = arith.constant 0 : i32
    %dma_wait3A_30 = arith.constant 0 : i32
    %dma_wait3A_31 = tpu.memref_slice %arg3[%dma_wait3A_29, %dma_wait3A_30] : memref<10000x16xf32, #tpu.memory_space<hbm>> -> memref<10000x16xf32, #tpu.memory_space<hbm>>
    tpu.wait_indirect_dma semaphore(%arg22 : memref<!tpu.dma_semaphore, #tpu.memory_space<semaphore_mem>>) src(%dma_wait3A_31 : memref<10000x16xf32, #tpu.memory_space<hbm>>) dst(%arg18 : memref<80x16xf32, #tpu.memory_space<vmem>>)
    %dma_wait3A_32 = arith.constant 0 : i32
    %dma_wait3A_33 = arith.constant 0 : i32
    %dma_wait3A_34 = tpu.memref_slice %arg3[%dma_wait3A_32, %dma_wait3A_33] : memref<10000x16xf32, #tpu.memory_space<hbm>> -> memref<10000x16xf32, #tpu.memory_space<hbm>>
    tpu.wait_indirect_dma semaphore(%arg22 : memref<!tpu.dma_semaphore, #tpu.memory_space<semaphore_mem>>) src(%dma_wait3A_34 : memref<10000x16xf32, #tpu.memory_space<hbm>>) dst(%arg20 : memref<80x16xf32, #tpu.memory_space<vmem>>)
    %mul3A_35 = arith.constant 80 : i32
    %mul3A_36 = arith.muli %scan3A_9, %mul3A_35 : i32
    %add3A_37 = arith.addi %mul3A_2, %mul3A_36 : i32
    %dma_start3A_38 = arith.constant 0 : i32
    %dma_start3A_39 = tpu.memref_slice %arg6[%add3A_37, %dma_start3A_38] : memref<320000x128xf32, #tpu.memory_space<hbm>> -> memref<80x128xf32, #tpu.memory_space<hbm>>
    %dma_start3A_40 = arith.constant 0 : i32
    %dma_start3A_41 = tpu.memref_slice %arg6[%add3A_37, %dma_start3A_40] : memref<320000x128xf32, #tpu.memory_space<hbm>> -> memref<80x128xf32, #tpu.memory_space<hbm>>
    tpu.enqueue_dma source(%arg14 : memref<80x128xf32, #tpu.memory_space<vmem>>) target(%dma_start3A_41 : memref<80x128xf32, #tpu.memory_space<hbm>>) target_semaphore(%arg24 : memref<!tpu.dma_semaphore, #tpu.memory_space<semaphore_mem>>)
    %dma_start3A_42 = arith.constant 0 : i32
    %dma_start3A_43 = tpu.memref_slice %arg7[%add3A_37, %dma_start3A_42] : memref<320000x128xf32, #tpu.memory_space<hbm>> -> memref<80x128xf32, #tpu.memory_space<hbm>>
    %dma_start3A_44 = arith.constant 0 : i32
    %dma_start3A_45 = tpu.memref_slice %arg7[%add3A_37, %dma_start3A_44] : memref<320000x128xf32, #tpu.memory_space<hbm>> -> memref<80x128xf32, #tpu.memory_space<hbm>>
    tpu.enqueue_dma source(%arg16 : memref<80x128xf32, #tpu.memory_space<vmem>>) target(%dma_start3A_45 : memref<80x128xf32, #tpu.memory_space<hbm>>) target_semaphore(%arg24 : memref<!tpu.dma_semaphore, #tpu.memory_space<semaphore_mem>>)
    %dma_start3A_46 = arith.constant 0 : i32
    %dma_start3A_47 = tpu.memref_slice %arg8[%add3A_37, %dma_start3A_46] : memref<320000x16xf32, #tpu.memory_space<hbm>> -> memref<80x16xf32, #tpu.memory_space<hbm>>
    %dma_start3A_48 = arith.constant 0 : i32
    %dma_start3A_49 = tpu.memref_slice %arg8[%add3A_37, %dma_start3A_48] : memref<320000x16xf32, #tpu.memory_space<hbm>> -> memref<80x16xf32, #tpu.memory_space<hbm>>
    tpu.enqueue_dma source(%arg18 : memref<80x16xf32, #tpu.memory_space<vmem>>) target(%dma_start3A_49 : memref<80x16xf32, #tpu.memory_space<hbm>>) target_semaphore(%arg24 : memref<!tpu.dma_semaphore, #tpu.memory_space<semaphore_mem>>)
    %dma_start3A_50 = arith.constant 0 : i32
    %dma_start3A_51 = tpu.memref_slice %arg9[%add3A_37, %dma_start3A_50] : memref<320000x16xf32, #tpu.memory_space<hbm>> -> memref<80x16xf32, #tpu.memory_space<hbm>>
    %dma_start3A_52 = arith.constant 0 : i32
    %dma_start3A_53 = tpu.memref_slice %arg9[%add3A_37, %dma_start3A_52] : memref<320000x16xf32, #tpu.memory_space<hbm>> -> memref<80x16xf32, #tpu.memory_space<hbm>>
    tpu.enqueue_dma source(%arg20 : memref<80x16xf32, #tpu.memory_space<vmem>>) target(%dma_start3A_53 : memref<80x16xf32, #tpu.memory_space<hbm>>) target_semaphore(%arg24 : memref<!tpu.dma_semaphore, #tpu.memory_space<semaphore_mem>>)
    %dma_wait3A_54 = arith.constant 0 : i32
    %dma_wait3A_55 = tpu.memref_slice %arg6[%mul3A_2, %dma_wait3A_54] : memref<320000x128xf32, #tpu.memory_space<hbm>> -> memref<80x128xf32, #tpu.memory_space<hbm>>
    %dma_wait3A_56 = arith.constant 0 : i32
    %dma_wait3A_57 = tpu.memref_slice %arg6[%mul3A_2, %dma_wait3A_56] : memref<320000x128xf32, #tpu.memory_space<hbm>> -> memref<80x128xf32, #tpu.memory_space<hbm>>
    tpu.wait_dma2 semaphore(%arg24 : memref<!tpu.dma_semaphore, #tpu.memory_space<semaphore_mem>>) src(%arg14 : memref<80x128xf32, #tpu.memory_space<vmem>>) dst(%dma_wait3A_57 : memref<80x128xf32, #tpu.memory_space<hbm>>)
    %dma_wait3A_58 = arith.constant 0 : i32
    %dma_wait3A_59 = tpu.memref_slice %arg7[%mul3A_2, %dma_wait3A_58] : memref<320000x128xf32, #tpu.memory_space<hbm>> -> memref<80x128xf32, #tpu.memory_space<hbm>>
    %dma_wait3A_60 = arith.constant 0 : i32
    %dma_wait3A_61 = tpu.memref_slice %arg7[%mul3A_2, %dma_wait3A_60] : memref<320000x128xf32, #tpu.memory_space<hbm>> -> memref<80x128xf32, #tpu.memory_space<hbm>>
    tpu.wait_dma2 semaphore(%arg24 : memref<!tpu.dma_semaphore, #tpu.memory_space<semaphore_mem>>) src(%arg16 : memref<80x128xf32, #tpu.memory_space<vmem>>) dst(%dma_wait3A_61 : memref<80x128xf32, #tpu.memory_space<hbm>>)
    %dma_wait3A_62 = arith.constant 0 : i32
    %dma_wait3A_63 = tpu.memref_slice %arg8[%mul3A_2, %dma_wait3A_62] : memref<320000x16xf32, #tpu.memory_space<hbm>> -> memref<80x16xf32, #tpu.memory_space<hbm>>
    %dma_wait3A_64 = arith.constant 0 : i32
    %dma_wait3A_65 = tpu.memref_slice %arg8[%mul3A_2, %dma_wait3A_64] : memref<320000x16xf32, #tpu.memory_space<hbm>> -> memref<80x16xf32, #tpu.memory_space<hbm>>
    tpu.wait_dma2 semaphore(%arg24 : memref<!tpu.dma_semaphore, #tpu.memory_space<semaphore_mem>>) src(%arg18 : memref<80x16xf32, #tpu.memory_space<vmem>>) dst(%dma_wait3A_65 : memref<80x16xf32, #tpu.memory_space<hbm>>)
    %dma_wait3A_66 = arith.constant 0 : i32
    %dma_wait3A_67 = tpu.memref_slice %arg9[%mul3A_2, %dma_wait3A_66] : memref<320000x16xf32, #tpu.memory_space<hbm>> -> memref<80x16xf32, #tpu.memory_space<hbm>>
    %dma_wait3A_68 = arith.constant 0 : i32
    %dma_wait3A_69 = tpu.memref_slice %arg9[%mul3A_2, %dma_wait3A_68] : memref<320000x16xf32, #tpu.memory_space<hbm>> -> memref<80x16xf32, #tpu.memory_space<hbm>>
    tpu.wait_dma2 semaphore(%arg24 : memref<!tpu.dma_semaphore, #tpu.memory_space<semaphore_mem>>) src(%arg20 : memref<80x16xf32, #tpu.memory_space<vmem>>) dst(%dma_wait3A_69 : memref<80x16xf32, #tpu.memory_space<hbm>>)
    %scan3A_70 = arith.constant 1 : i32
    return
  }
}

#map = affine_map<(d0, d1) -> (0, 0)>
#map1 = affine_map<(d0, d1) -> (0)>
#map2 = affine_map<(d0, d1) -> (0, 0, 0)>
module attributes {stable_mosaic.version = 14 : i64} {
  func.func @_scatter_body(%arg0: i32, %arg1: i32, %arg2: memref<320000x64xf32, #tpu.memory_space<hbm>>, %arg3: memref<320000xi32, #tpu.memory_space<hbm>>, %arg4: memref<10000x64xf32, #tpu.memory_space<hbm>>, %arg5: memref<2x10000x64xf32, #tpu.memory_space<hbm>>, %arg6: memref<80xi32, #tpu.memory_space<vmem>>, %arg7: memref<80xi32, #tpu.memory_space<vmem>>, %arg8: memref<80x64xf32, #tpu.memory_space<vmem>>, %arg9: memref<80x64xf32, #tpu.memory_space<vmem>>, %arg10: memref<10000x64xf32, #tpu.memory_space<vmem_shared>>, %arg11: memref<!tpu.dma_semaphore, #tpu.memory_space<semaphore_mem>>, %arg12: memref<!tpu.dma_semaphore, #tpu.memory_space<semaphore_mem>>) attributes {dimension_semantics = [#tpu.dimension_semantics<core_parallel>, #tpu.dimension_semantics<subcore_parallel>], iteration_bounds = array<i64: 2, 16>, scalar_prefetch = 0 : i64, scratch_operands = 7 : i64, tpu.core_type = #tpu.core_type<sc_vector_subcore>, window_params = [{transform_indices = #map}, {transform_indices = #map1}, {transform_indices = #map}, {transform_indices = #map2}]} {
    %mul3A = arith.constant 2 : i32
    %mul3A_0 = arith.muli %arg1, %mul3A : i32
    %add3A = arith.addi %mul3A_0, %arg0 : i32
    %mul3A_1 = arith.constant 10000 : i32
    %mul3A_2 = arith.muli %add3A, %mul3A_1 : i32
    %eq3A = arith.constant 0 : i32
    %eq3A_3 = arith.cmpi eq, %arg1, %eq3A : i32
    %convert_element_type3A = arith.extui %eq3A_3 : i1 to i32
    %cond3A = arith.constant 0 : i32
    %cond3A_4 = arith.cmpi ne, %convert_element_type3A, %cond3A : i32
    scf.if %cond3A_4 {
      "tpu.region"() ({
        %run_scoped3A = tpu.sem_alloc : memref<!tpu.dma_semaphore, #tpu.memory_space<semaphore_mem>>
        tpu.enqueue_dma source(%arg4 : memref<10000x64xf32, #tpu.memory_space<hbm>>) target(%arg10 : memref<10000x64xf32, #tpu.memory_space<vmem_shared>>) target_semaphore(%run_scoped3A : memref<!tpu.dma_semaphore, #tpu.memory_space<semaphore_mem>>)
        tpu.wait_dma2 semaphore(%run_scoped3A : memref<!tpu.dma_semaphore, #tpu.memory_space<semaphore_mem>>) src(%arg4 : memref<10000x64xf32, #tpu.memory_space<hbm>>) dst(%arg10 : memref<10000x64xf32, #tpu.memory_space<vmem_shared>>)
        tpu.yield
      }) : () -> ()
    } else {
    }
    %barrier3A = arith.constant 0 : index
    tpu.barrier barrier_id(%barrier3A)
    %scan3A = arith.constant 0 : i32
    %scan3A_5 = arith.constant 0 : i32
    %scan3A_6 = arith.constant 62 : i32
    %scan3A_7 = arith.addi %scan3A_5, %scan3A_6 : i32
    %scan3A_8 = arith.constant 1 : i32
    scf.for %scan3A_32 = %scan3A_5 to %scan3A_7 step %scan3A_8  : i32 {
      %mul3A_33 = arith.constant 2 : i32
      %mul3A_34 = arith.muli %mul3A_33, %scan3A_32 : i32
      %mul3A_35 = arith.constant 80 : i32
      %mul3A_36 = arith.muli %mul3A_34, %mul3A_35 : i32
      %add3A_37 = arith.addi %mul3A_2, %mul3A_36 : i32
      %dma_start3A_38 = tpu.memref_slice %arg3[%add3A_37] : memref<320000xi32, #tpu.memory_space<hbm>> -> memref<80xi32, #tpu.memory_space<hbm>>
      %dma_start3A_39 = tpu.memref_slice %arg3[%add3A_37] : memref<320000xi32, #tpu.memory_space<hbm>> -> memref<80xi32, #tpu.memory_space<hbm>>
      tpu.enqueue_dma source(%dma_start3A_39 : memref<80xi32, #tpu.memory_space<hbm>>) target(%arg6 : memref<80xi32, #tpu.memory_space<vmem>>) target_semaphore(%arg11 : memref<!tpu.dma_semaphore, #tpu.memory_space<semaphore_mem>>)
      %dma_start3A_40 = arith.constant 0 : i32
      %dma_start3A_41 = tpu.memref_slice %arg2[%add3A_37, %dma_start3A_40] : memref<320000x64xf32, #tpu.memory_space<hbm>> -> memref<80x64xf32, #tpu.memory_space<hbm>>
      %dma_start3A_42 = arith.constant 0 : i32
      %dma_start3A_43 = tpu.memref_slice %arg2[%add3A_37, %dma_start3A_42] : memref<320000x64xf32, #tpu.memory_space<hbm>> -> memref<80x64xf32, #tpu.memory_space<hbm>>
      tpu.enqueue_dma source(%dma_start3A_43 : memref<80x64xf32, #tpu.memory_space<hbm>>) target(%arg8 : memref<80x64xf32, #tpu.memory_space<vmem>>) target_semaphore(%arg11 : memref<!tpu.dma_semaphore, #tpu.memory_space<semaphore_mem>>)
      %add3A_44 = arith.constant 1 : i32
      %add3A_45 = arith.addi %mul3A_34, %add3A_44 : i32
      %mul3A_46 = arith.constant 80 : i32
      %mul3A_47 = arith.muli %add3A_45, %mul3A_46 : i32
      %add3A_48 = arith.addi %mul3A_2, %mul3A_47 : i32
      %dma_start3A_49 = tpu.memref_slice %arg3[%add3A_48] : memref<320000xi32, #tpu.memory_space<hbm>> -> memref<80xi32, #tpu.memory_space<hbm>>
      %dma_start3A_50 = tpu.memref_slice %arg3[%add3A_48] : memref<320000xi32, #tpu.memory_space<hbm>> -> memref<80xi32, #tpu.memory_space<hbm>>
      tpu.enqueue_dma source(%dma_start3A_50 : memref<80xi32, #tpu.memory_space<hbm>>) target(%arg7 : memref<80xi32, #tpu.memory_space<vmem>>) target_semaphore(%arg12 : memref<!tpu.dma_semaphore, #tpu.memory_space<semaphore_mem>>)
      %dma_start3A_51 = arith.constant 0 : i32
      %dma_start3A_52 = tpu.memref_slice %arg2[%add3A_48, %dma_start3A_51] : memref<320000x64xf32, #tpu.memory_space<hbm>> -> memref<80x64xf32, #tpu.memory_space<hbm>>
      %dma_start3A_53 = arith.constant 0 : i32
      %dma_start3A_54 = tpu.memref_slice %arg2[%add3A_48, %dma_start3A_53] : memref<320000x64xf32, #tpu.memory_space<hbm>> -> memref<80x64xf32, #tpu.memory_space<hbm>>
      tpu.enqueue_dma source(%dma_start3A_54 : memref<80x64xf32, #tpu.memory_space<hbm>>) target(%arg9 : memref<80x64xf32, #tpu.memory_space<vmem>>) target_semaphore(%arg12 : memref<!tpu.dma_semaphore, #tpu.memory_space<semaphore_mem>>)
      %dma_wait3A_55 = tpu.memref_slice %arg3[%mul3A_2] : memref<320000xi32, #tpu.memory_space<hbm>> -> memref<80xi32, #tpu.memory_space<hbm>>
      %dma_wait3A_56 = tpu.memref_slice %arg3[%mul3A_2] : memref<320000xi32, #tpu.memory_space<hbm>> -> memref<80xi32, #tpu.memory_space<hbm>>
      tpu.wait_dma2 semaphore(%arg11 : memref<!tpu.dma_semaphore, #tpu.memory_space<semaphore_mem>>) src(%dma_wait3A_56 : memref<80xi32, #tpu.memory_space<hbm>>) dst(%arg6 : memref<80xi32, #tpu.memory_space<vmem>>)
      %dma_wait3A_57 = arith.constant 0 : i32
      %dma_wait3A_58 = tpu.memref_slice %arg2[%mul3A_2, %dma_wait3A_57] : memref<320000x64xf32, #tpu.memory_space<hbm>> -> memref<80x64xf32, #tpu.memory_space<hbm>>
      %dma_wait3A_59 = arith.constant 0 : i32
      %dma_wait3A_60 = tpu.memref_slice %arg2[%mul3A_2, %dma_wait3A_59] : memref<320000x64xf32, #tpu.memory_space<hbm>> -> memref<80x64xf32, #tpu.memory_space<hbm>>
      tpu.wait_dma2 semaphore(%arg11 : memref<!tpu.dma_semaphore, #tpu.memory_space<semaphore_mem>>) src(%dma_wait3A_60 : memref<80x64xf32, #tpu.memory_space<hbm>>) dst(%arg8 : memref<80x64xf32, #tpu.memory_space<vmem>>)
      "tpu.region"() ({
        %run_scoped3A = tpu.sem_alloc : memref<!tpu.dma_semaphore, #tpu.memory_space<semaphore_mem>>
        %dma_start3A_67 = arith.constant 0 : i32
        %dma_start3A_68 = arith.constant 0 : i32
        %dma_start3A_69 = tpu.memref_slice %arg10[%dma_start3A_67, %dma_start3A_68] : memref<10000x64xf32, #tpu.memory_space<vmem_shared>> -> memref<10000x64xf32, #tpu.memory_space<vmem_shared>>
        tpu.enqueue_indirect_dma source(%arg8 : memref<80x64xf32, #tpu.memory_space<vmem>>) target(%dma_start3A_69 : memref<10000x64xf32, #tpu.memory_space<vmem_shared>>) offsets(%arg6 : memref<80xi32, #tpu.memory_space<vmem>>) semaphore(%run_scoped3A : memref<!tpu.dma_semaphore, #tpu.memory_space<semaphore_mem>>) {add = true}
        %dma_wait3A_70 = arith.constant 0 : i32
        %dma_wait3A_71 = arith.constant 0 : i32
        %dma_wait3A_72 = tpu.memref_slice %arg10[%dma_wait3A_70, %dma_wait3A_71] : memref<10000x64xf32, #tpu.memory_space<vmem_shared>> -> memref<10000x64xf32, #tpu.memory_space<vmem_shared>>
        tpu.wait_indirect_dma semaphore(%run_scoped3A : memref<!tpu.dma_semaphore, #tpu.memory_space<semaphore_mem>>) src(%arg8 : memref<80x64xf32, #tpu.memory_space<vmem>>) dst(%dma_wait3A_72 : memref<10000x64xf32, #tpu.memory_space<vmem_shared>>)
        tpu.yield
      }) : () -> ()
      %dma_wait3A_61 = tpu.memref_slice %arg3[%mul3A_2] : memref<320000xi32, #tpu.memory_space<hbm>> -> memref<80xi32, #tpu.memory_space<hbm>>
      %dma_wait3A_62 = tpu.memref_slice %arg3[%mul3A_2] : memref<320000xi32, #tpu.memory_space<hbm>> -> memref<80xi32, #tpu.memory_space<hbm>>
      tpu.wait_dma2 semaphore(%arg12 : memref<!tpu.dma_semaphore, #tpu.memory_space<semaphore_mem>>) src(%dma_wait3A_62 : memref<80xi32, #tpu.memory_space<hbm>>) dst(%arg7 : memref<80xi32, #tpu.memory_space<vmem>>)
      %dma_wait3A_63 = arith.constant 0 : i32
      %dma_wait3A_64 = tpu.memref_slice %arg2[%mul3A_2, %dma_wait3A_63] : memref<320000x64xf32, #tpu.memory_space<hbm>> -> memref<80x64xf32, #tpu.memory_space<hbm>>
      %dma_wait3A_65 = arith.constant 0 : i32
      %dma_wait3A_66 = tpu.memref_slice %arg2[%mul3A_2, %dma_wait3A_65] : memref<320000x64xf32, #tpu.memory_space<hbm>> -> memref<80x64xf32, #tpu.memory_space<hbm>>
      tpu.wait_dma2 semaphore(%arg12 : memref<!tpu.dma_semaphore, #tpu.memory_space<semaphore_mem>>) src(%dma_wait3A_66 : memref<80x64xf32, #tpu.memory_space<hbm>>) dst(%arg9 : memref<80x64xf32, #tpu.memory_space<vmem>>)
      "tpu.region"() ({
        %run_scoped3A = tpu.sem_alloc : memref<!tpu.dma_semaphore, #tpu.memory_space<semaphore_mem>>
        %dma_start3A_67 = arith.constant 0 : i32
        %dma_start3A_68 = arith.constant 0 : i32
        %dma_start3A_69 = tpu.memref_slice %arg10[%dma_start3A_67, %dma_start3A_68] : memref<10000x64xf32, #tpu.memory_space<vmem_shared>> -> memref<10000x64xf32, #tpu.memory_space<vmem_shared>>
        tpu.enqueue_indirect_dma source(%arg9 : memref<80x64xf32, #tpu.memory_space<vmem>>) target(%dma_start3A_69 : memref<10000x64xf32, #tpu.memory_space<vmem_shared>>) offsets(%arg7 : memref<80xi32, #tpu.memory_space<vmem>>) semaphore(%run_scoped3A : memref<!tpu.dma_semaphore, #tpu.memory_space<semaphore_mem>>) {add = true}
        %dma_wait3A_70 = arith.constant 0 : i32
        %dma_wait3A_71 = arith.constant 0 : i32
        %dma_wait3A_72 = tpu.memref_slice %arg10[%dma_wait3A_70, %dma_wait3A_71] : memref<10000x64xf32, #tpu.memory_space<vmem_shared>> -> memref<10000x64xf32, #tpu.memory_space<vmem_shared>>
        tpu.wait_indirect_dma semaphore(%run_scoped3A : memref<!tpu.dma_semaphore, #tpu.memory_space<semaphore_mem>>) src(%arg9 : memref<80x64xf32, #tpu.memory_space<vmem>>) dst(%dma_wait3A_72 : memref<10000x64xf32, #tpu.memory_space<vmem_shared>>)
        tpu.yield
      }) : () -> ()
    }
    %scan3A_9 = arith.constant 62 : i32
    %scan3A_10 = arith.constant 0 : i32
    %scan3A_11 = arith.constant 124 : i32
    %mul3A_12 = arith.constant 80 : i32
    %mul3A_13 = arith.muli %scan3A_11, %mul3A_12 : i32
    %add3A_14 = arith.addi %mul3A_2, %mul3A_13 : i32
    %dma_start3A = tpu.memref_slice %arg3[%add3A_14] : memref<320000xi32, #tpu.memory_space<hbm>> -> memref<80xi32, #tpu.memory_space<hbm>>
    %dma_start3A_15 = tpu.memref_slice %arg3[%add3A_14] : memref<320000xi32, #tpu.memory_space<hbm>> -> memref<80xi32, #tpu.memory_space<hbm>>
    tpu.enqueue_dma source(%dma_start3A_15 : memref<80xi32, #tpu.memory_space<hbm>>) target(%arg6 : memref<80xi32, #tpu.memory_space<vmem>>) target_semaphore(%arg11 : memref<!tpu.dma_semaphore, #tpu.memory_space<semaphore_mem>>)
    %dma_start3A_16 = arith.constant 0 : i32
    %dma_start3A_17 = tpu.memref_slice %arg2[%add3A_14, %dma_start3A_16] : memref<320000x64xf32, #tpu.memory_space<hbm>> -> memref<80x64xf32, #tpu.memory_space<hbm>>
    %dma_start3A_18 = arith.constant 0 : i32
    %dma_start3A_19 = tpu.memref_slice %arg2[%add3A_14, %dma_start3A_18] : memref<320000x64xf32, #tpu.memory_space<hbm>> -> memref<80x64xf32, #tpu.memory_space<hbm>>
    tpu.enqueue_dma source(%dma_start3A_19 : memref<80x64xf32, #tpu.memory_space<hbm>>) target(%arg8 : memref<80x64xf32, #tpu.memory_space<vmem>>) target_semaphore(%arg11 : memref<!tpu.dma_semaphore, #tpu.memory_space<semaphore_mem>>)
    %dma_wait3A = tpu.memref_slice %arg3[%mul3A_2] : memref<320000xi32, #tpu.memory_space<hbm>> -> memref<80xi32, #tpu.memory_space<hbm>>
    %dma_wait3A_20 = tpu.memref_slice %arg3[%mul3A_2] : memref<320000xi32, #tpu.memory_space<hbm>> -> memref<80xi32, #tpu.memory_space<hbm>>
    tpu.wait_dma2 semaphore(%arg11 : memref<!tpu.dma_semaphore, #tpu.memory_space<semaphore_mem>>) src(%dma_wait3A_20 : memref<80xi32, #tpu.memory_space<hbm>>) dst(%arg6 : memref<80xi32, #tpu.memory_space<vmem>>)
    %dma_wait3A_21 = arith.constant 0 : i32
    %dma_wait3A_22 = tpu.memref_slice %arg2[%mul3A_2, %dma_wait3A_21] : memref<320000x64xf32, #tpu.memory_space<hbm>> -> memref<80x64xf32, #tpu.memory_space<hbm>>
    %dma_wait3A_23 = arith.constant 0 : i32
    %dma_wait3A_24 = tpu.memref_slice %arg2[%mul3A_2, %dma_wait3A_23] : memref<320000x64xf32, #tpu.memory_space<hbm>> -> memref<80x64xf32, #tpu.memory_space<hbm>>
    tpu.wait_dma2 semaphore(%arg11 : memref<!tpu.dma_semaphore, #tpu.memory_space<semaphore_mem>>) src(%dma_wait3A_24 : memref<80x64xf32, #tpu.memory_space<hbm>>) dst(%arg8 : memref<80x64xf32, #tpu.memory_space<vmem>>)
    "tpu.region"() ({
      %run_scoped3A = tpu.sem_alloc : memref<!tpu.dma_semaphore, #tpu.memory_space<semaphore_mem>>
      %dma_start3A_32 = arith.constant 0 : i32
      %dma_start3A_33 = arith.constant 0 : i32
      %dma_start3A_34 = tpu.memref_slice %arg10[%dma_start3A_32, %dma_start3A_33] : memref<10000x64xf32, #tpu.memory_space<vmem_shared>> -> memref<10000x64xf32, #tpu.memory_space<vmem_shared>>
      tpu.enqueue_indirect_dma source(%arg8 : memref<80x64xf32, #tpu.memory_space<vmem>>) target(%dma_start3A_34 : memref<10000x64xf32, #tpu.memory_space<vmem_shared>>) offsets(%arg6 : memref<80xi32, #tpu.memory_space<vmem>>) semaphore(%run_scoped3A : memref<!tpu.dma_semaphore, #tpu.memory_space<semaphore_mem>>) {add = true}
      %dma_wait3A_35 = arith.constant 0 : i32
      %dma_wait3A_36 = arith.constant 0 : i32
      %dma_wait3A_37 = tpu.memref_slice %arg10[%dma_wait3A_35, %dma_wait3A_36] : memref<10000x64xf32, #tpu.memory_space<vmem_shared>> -> memref<10000x64xf32, #tpu.memory_space<vmem_shared>>
      tpu.wait_indirect_dma semaphore(%run_scoped3A : memref<!tpu.dma_semaphore, #tpu.memory_space<semaphore_mem>>) src(%arg8 : memref<80x64xf32, #tpu.memory_space<vmem>>) dst(%dma_wait3A_37 : memref<10000x64xf32, #tpu.memory_space<vmem_shared>>)
      tpu.yield
    }) : () -> ()
    %scan3A_25 = arith.constant 1 : i32
    %barrier3A_26 = arith.constant 0 : index
    tpu.barrier barrier_id(%barrier3A_26)
    %eq3A_27 = arith.constant 0 : i32
    %eq3A_28 = arith.cmpi eq, %arg1, %eq3A_27 : i32
    %convert_element_type3A_29 = arith.extui %eq3A_28 : i1 to i32
    %cond3A_30 = arith.constant 0 : i32
    %cond3A_31 = arith.cmpi ne, %convert_element_type3A_29, %cond3A_30 : i32
    scf.if %cond3A_31 {
      "tpu.region"() ({
        %run_scoped3A = tpu.sem_alloc : memref<!tpu.dma_semaphore, #tpu.memory_space<semaphore_mem>>
        %dma_start3A_32 = arith.constant 0 : i32
        %dma_start3A_33 = arith.constant 0 : i32
        %dma_start3A_34 = tpu.memref_slice %arg5[%arg0, %dma_start3A_32, %dma_start3A_33] : memref<2x10000x64xf32, #tpu.memory_space<hbm>> -> memref<1x10000x64xf32, #tpu.memory_space<hbm>>
        %dma_start3A_35 = tpu.memref_squeeze %dma_start3A_34 : memref<1x10000x64xf32, #tpu.memory_space<hbm>> -> memref<10000x64xf32, #tpu.memory_space<hbm>>
        tpu.enqueue_dma source(%arg10 : memref<10000x64xf32, #tpu.memory_space<vmem_shared>>) target(%dma_start3A_35 : memref<10000x64xf32, #tpu.memory_space<hbm>>) target_semaphore(%run_scoped3A : memref<!tpu.dma_semaphore, #tpu.memory_space<semaphore_mem>>)
        %dma_wait3A_36 = arith.constant 0 : i32
        %dma_wait3A_37 = arith.constant 0 : i32
        %dma_wait3A_38 = tpu.memref_slice %arg5[%arg0, %dma_wait3A_36, %dma_wait3A_37] : memref<2x10000x64xf32, #tpu.memory_space<hbm>> -> memref<1x10000x64xf32, #tpu.memory_space<hbm>>
        %dma_wait3A_39 = tpu.memref_squeeze %dma_wait3A_38 : memref<1x10000x64xf32, #tpu.memory_space<hbm>> -> memref<10000x64xf32, #tpu.memory_space<hbm>>
        tpu.wait_dma2 semaphore(%run_scoped3A : memref<!tpu.dma_semaphore, #tpu.memory_space<semaphore_mem>>) src(%arg10 : memref<10000x64xf32, #tpu.memory_space<vmem_shared>>) dst(%dma_wait3A_39 : memref<10000x64xf32, #tpu.memory_space<hbm>>)
        tpu.yield
      }) : () -> ()
    } else {
    }
    return
  }
}

module attributes {stable_mosaic.version = 14 : i64} {
  func.func @_edge_mlp_body(%arg0: i32, %arg1: memref<3200x128xf32, #tpu.memory_space<vmem>>, %arg2: memref<3200x128xf32, #tpu.memory_space<vmem>>, %arg3: memref<3200x16xf32, #tpu.memory_space<vmem>>, %arg4: memref<3200x16xf32, #tpu.memory_space<vmem>>, %arg5: memref<3200x16xf32, #tpu.memory_space<vmem>>, %arg6: memref<48x128xf32, #tpu.memory_space<vmem>>, %arg7: memref<1x128xf32, #tpu.memory_space<vmem>>, %arg8: memref<128x128xf32, #tpu.memory_space<vmem>>, %arg9: memref<1x128xf32, #tpu.memory_space<vmem>>, %arg10: memref<128x1xf32, #tpu.memory_space<vmem>>, %arg11: memref<1x1xf32, #tpu.memory_space<vmem>>, %arg12: memref<256x128xbf16, #tpu.memory_space<vmem>>, %arg13: memref<1x128xf32, #tpu.memory_space<vmem>>, %arg14: memref<128x1xf32, #tpu.memory_space<vmem>>, %arg15: memref<1x1xf32, #tpu.memory_space<vmem>>, %arg16: memref<128x128xbf16, #tpu.memory_space<vmem>>, %arg17: memref<1x128xf32, #tpu.memory_space<vmem>>, %arg18: memref<128x64xf32, #tpu.memory_space<vmem>>, %arg19: memref<1x64xf32, #tpu.memory_space<vmem>>, %arg20: memref<3200x64xf32, #tpu.memory_space<vmem>>) attributes {dimension_semantics = [#tpu.dimension_semantics<arbitrary>], iteration_bounds = array<i64: 100>, scalar_prefetch = 0 : i64, scratch_operands = 0 : i64, tpu.core_type = #tpu.core_type<tc>, window_params = [{transform_indices = @transform_0, window_bounds = array<i64: 3200, 128>}, {transform_indices = @transform_1, window_bounds = array<i64: 3200, 128>}, {transform_indices = @transform_2, window_bounds = array<i64: 3200, 16>}, {transform_indices = @transform_3, window_bounds = array<i64: 3200, 16>}, {transform_indices = @transform_4, window_bounds = array<i64: 3200, 16>}, {pipeline_mode = #tpu.pipeline_mode<synchronous>, transform_indices = @transform_5, window_bounds = array<i64: 48, 128>}, {pipeline_mode = #tpu.pipeline_mode<synchronous>, transform_indices = @transform_6, window_bounds = array<i64: 1, 128>}, {pipeline_mode = #tpu.pipeline_mode<synchronous>, transform_indices = @transform_7, window_bounds = array<i64: 128, 128>}, {pipeline_mode = #tpu.pipeline_mode<synchronous>, transform_indices = @transform_8, window_bounds = array<i64: 1, 128>}, {pipeline_mode = #tpu.pipeline_mode<synchronous>, transform_indices = @transform_9, window_bounds = array<i64: 128, 1>}, {pipeline_mode = #tpu.pipeline_mode<synchronous>, transform_indices = @transform_10, window_bounds = array<i64: 1, 1>}, {pipeline_mode = #tpu.pipeline_mode<synchronous>, transform_indices = @transform_11, window_bounds = array<i64: 256, 128>}, {pipeline_mode = #tpu.pipeline_mode<synchronous>, transform_indices = @transform_12, window_bounds = array<i64: 1, 128>}, {pipeline_mode = #tpu.pipeline_mode<synchronous>, transform_indices = @transform_13, window_bounds = array<i64: 128, 1>}, {pipeline_mode = #tpu.pipeline_mode<synchronous>, transform_indices = @transform_14, window_bounds = array<i64: 1, 1>}, {pipeline_mode = #tpu.pipeline_mode<synchronous>, transform_indices = @transform_15, window_bounds = array<i64: 128, 128>}, {pipeline_mode = #tpu.pipeline_mode<synchronous>, transform_indices = @transform_16, window_bounds = array<i64: 1, 128>}, {pipeline_mode = #tpu.pipeline_mode<synchronous>, transform_indices = @transform_17, window_bounds = array<i64: 128, 64>}, {pipeline_mode = #tpu.pipeline_mode<synchronous>, transform_indices = @transform_18, window_bounds = array<i64: 1, 64>}, {transform_indices = @transform_19, window_bounds = array<i64: 3200, 64>}]} {
    %get3A = arith.constant 0 : index
    %get3A_0 = arith.constant 0 : index
    %get3A_1 = vector.load %arg6[%get3A, %get3A_0] : memref<48x128xf32, #tpu.memory_space<vmem>>, vector<48x128xf32>
    %get3A_2 = arith.constant 0 : index
    %get3A_3 = arith.constant 0 : index
    %get3A_4 = vector.load %arg5[%get3A_2, %get3A_3] : memref<3200x16xf32, #tpu.memory_space<vmem>>, vector<3200x16xf32>
    %slice3A = vector.extract_strided_slice %get3A_1 {offsets = [0, 0], sizes = [16, 128], strides = [1, 1]} : vector<48x128xf32> to vector<16x128xf32>
    %dot_general3A = arith.constant dense<0.000000e+00> : vector<3200x128xf32>
    %dot_general3A_5 = tpu.matmul %get3A_4, %slice3A, %dot_general3A {dimension_numbers = #tpu.dot_dimension_numbers<[1], [0], [0], [1], [0, 0, 1, 1], [], []>, transpose_lhs_hint = false} : vector<3200x16xf32>, vector<16x128xf32>, vector<3200x128xf32> -> vector<3200x128xf32>
    %get3A_6 = arith.constant 0 : index
    %get3A_7 = arith.constant 0 : index
    %get3A_8 = vector.load %arg3[%get3A_6, %get3A_7] : memref<3200x16xf32, #tpu.memory_space<vmem>>, vector<3200x16xf32>
    %slice3A_9 = vector.extract_strided_slice %get3A_1 {offsets = [16, 0], sizes = [16, 128], strides = [1, 1]} : vector<48x128xf32> to vector<16x128xf32>
    %dot_general3A_10 = arith.constant dense<0.000000e+00> : vector<3200x128xf32>
    %dot_general3A_11 = tpu.matmul %get3A_8, %slice3A_9, %dot_general3A_10 {dimension_numbers = #tpu.dot_dimension_numbers<[1], [0], [0], [1], [0, 0, 1, 1], [], []>, transpose_lhs_hint = false} : vector<3200x16xf32>, vector<16x128xf32>, vector<3200x128xf32> -> vector<3200x128xf32>
    %add3A = arith.addf %dot_general3A_5, %dot_general3A_11 : vector<3200x128xf32>
    %get3A_12 = arith.constant 0 : index
    %get3A_13 = arith.constant 0 : index
    %get3A_14 = vector.load %arg4[%get3A_12, %get3A_13] : memref<3200x16xf32, #tpu.memory_space<vmem>>, vector<3200x16xf32>
    %slice3A_15 = vector.extract_strided_slice %get3A_1 {offsets = [32, 0], sizes = [16, 128], strides = [1, 1]} : vector<48x128xf32> to vector<16x128xf32>
    %dot_general3A_16 = arith.constant dense<0.000000e+00> : vector<3200x128xf32>
    %dot_general3A_17 = tpu.matmul %get3A_14, %slice3A_15, %dot_general3A_16 {dimension_numbers = #tpu.dot_dimension_numbers<[1], [0], [0], [1], [0, 0, 1, 1], [], []>, transpose_lhs_hint = false} : vector<3200x16xf32>, vector<16x128xf32>, vector<3200x128xf32> -> vector<3200x128xf32>
    %add3A_18 = arith.addf %add3A, %dot_general3A_17 : vector<3200x128xf32>
    %get3A_19 = arith.constant 0 : index
    %get3A_20 = arith.constant 0 : index
    %get3A_21 = vector.load %arg7[%get3A_19, %get3A_20] : memref<1x128xf32, #tpu.memory_space<vmem>>, vector<1x128xf32>
    %add3A_22 = vector.broadcast %get3A_21 : vector<1x128xf32> to vector<3200x128xf32>
    %add3A_23 = arith.addf %add3A_18, %add3A_22 : vector<3200x128xf32>
    %get3A_24 = arith.constant 0 : index
    %get3A_25 = arith.constant 0 : index
    %get3A_26 = vector.load %arg8[%get3A_24, %get3A_25] : memref<128x128xf32, #tpu.memory_space<vmem>>, vector<128x128xf32>
    %get3A_27 = arith.constant 0 : index
    %get3A_28 = arith.constant 0 : index
    %get3A_29 = vector.load %arg10[%get3A_27, %get3A_28] : memref<128x1xf32, #tpu.memory_space<vmem>>, vector<128x1xf32>
    %dot_general3A_30 = arith.constant dense<0.000000e+00> : vector<128x1xf32>
    %dot_general3A_31 = tpu.matmul %get3A_26, %get3A_29, %dot_general3A_30 {dimension_numbers = #tpu.dot_dimension_numbers<[1], [0], [0], [1], [0, 0, 1, 1], [], []>, transpose_lhs_hint = false} : vector<128x128xf32>, vector<128x1xf32>, vector<128x1xf32> -> vector<128x1xf32>
    %get3A_32 = arith.constant 0 : index
    %get3A_33 = arith.constant 0 : index
    %get3A_34 = vector.load %arg9[%get3A_32, %get3A_33] : memref<1x128xf32, #tpu.memory_space<vmem>>, vector<1x128xf32>
    %get3A_35 = arith.constant 0 : index
    %get3A_36 = arith.constant 0 : index
    %get3A_37 = vector.load %arg10[%get3A_35, %get3A_36] : memref<128x1xf32, #tpu.memory_space<vmem>>, vector<128x1xf32>
    %dot_general3A_38 = arith.constant dense<0.000000e+00> : vector<1x1xf32>
    %dot_general3A_39 = tpu.matmul %get3A_34, %get3A_37, %dot_general3A_38 {dimension_numbers = #tpu.dot_dimension_numbers<[1], [0], [0], [1], [0, 0, 1, 1], [], []>, transpose_lhs_hint = false} : vector<1x128xf32>, vector<128x1xf32>, vector<1x1xf32> -> vector<1x1xf32>
    %get3A_40 = arith.constant 0 : index
    %get3A_41 = arith.constant 0 : index
    %get3A_42 = vector.load %arg11[%get3A_40, %get3A_41] : memref<1x1xf32, #tpu.memory_space<vmem>>, vector<1x1xf32>
    %add3A_43 = arith.addf %dot_general3A_39, %get3A_42 : vector<1x1xf32>
    %max3A = arith.constant 0.000000e+00 : f32
    %max3A_44 = vector.broadcast %max3A : f32 to vector<3200x128xf32>
    %max3A_45 = arith.maximumf %add3A_23, %max3A_44 : vector<3200x128xf32>
    %dot_general3A_46 = arith.constant dense<0.000000e+00> : vector<3200x1xf32>
    %dot_general3A_47 = tpu.matmul %max3A_45, %dot_general3A_31, %dot_general3A_46 {dimension_numbers = #tpu.dot_dimension_numbers<[1], [0], [0], [1], [0, 0, 1, 1], [], []>, transpose_lhs_hint = false} : vector<3200x128xf32>, vector<128x1xf32>, vector<3200x1xf32> -> vector<3200x1xf32>
    %add3A_48 = vector.broadcast %add3A_43 : vector<1x1xf32> to vector<3200x1xf32>
    %add3A_49 = arith.addf %dot_general3A_47, %add3A_48 : vector<3200x1xf32>
    %custom_jvp_call3A = arith.constant 0.000000e+00 : f32
    %max3A_50 = vector.broadcast %custom_jvp_call3A : f32 to vector<3200x1xf32>
    %max3A_51 = arith.maximumf %add3A_49, %max3A_50 : vector<3200x1xf32>
    %sub3A = vector.broadcast %custom_jvp_call3A : f32 to vector<3200x1xf32>
    %sub3A_52 = arith.subf %add3A_49, %sub3A : vector<3200x1xf32>
    %ne3A = arith.cmpf one, %sub3A_52, %sub3A_52 : vector<3200x1xf32>
    %add3A_53 = vector.broadcast %custom_jvp_call3A : f32 to vector<3200x1xf32>
    %add3A_54 = arith.addf %add3A_49, %add3A_53 : vector<3200x1xf32>
    %abs3A = math.absf %sub3A_52 : vector<3200x1xf32>
    %neg3A = arith.constant 0.000000e+00 : f32
    %neg3A_55 = vector.broadcast %neg3A : f32 to vector<3200x1xf32>
    %neg3A_56 = arith.subf %neg3A_55, %abs3A : vector<3200x1xf32>
    %exp3A = math.exp %neg3A_56 : vector<3200x1xf32>
    %log1p3A = math.log1p %exp3A : vector<3200x1xf32>
    %add3A_57 = arith.addf %max3A_51, %log1p3A : vector<3200x1xf32>
    %select_n3A = arith.select %ne3A, %add3A_54, %add3A_57 : vector<3200x1xi1>, vector<3200x1xf32>
    %get3A_58 = arith.constant 0 : index
    %get3A_59 = arith.constant 0 : index
    %get3A_60 = vector.load %arg1[%get3A_58, %get3A_59] : memref<3200x128xf32, #tpu.memory_space<vmem>>, vector<3200x128xf32>
    %convert_element_type3A = arith.truncf %get3A_60 : vector<3200x128xf32> to vector<3200x128xbf16>
    %get3A_61 = arith.constant 0 : index
    %get3A_62 = arith.constant 0 : index
    %get3A_63 = vector.load %arg2[%get3A_61, %get3A_62] : memref<3200x128xf32, #tpu.memory_space<vmem>>, vector<3200x128xf32>
    %convert_element_type3A_64 = arith.truncf %get3A_63 : vector<3200x128xf32> to vector<3200x128xbf16>
    %get3A_65 = arith.constant 0 : index
    %get3A_66 = arith.constant 0 : index
    %get3A_67 = vector.load %arg12[%get3A_65, %get3A_66] : memref<256x128xbf16, #tpu.memory_space<vmem>>, vector<256x128xbf16>
    %slice3A_68 = vector.extract_strided_slice %get3A_67 {offsets = [0, 0], sizes = [128, 128], strides = [1, 1]} : vector<256x128xbf16> to vector<128x128xbf16>
    %dot_general3A_69 = arith.constant dense<0.000000e+00> : vector<3200x128xf32>
    %dot_general3A_70 = tpu.matmul %convert_element_type3A, %slice3A_68, %dot_general3A_69 {dimension_numbers = #tpu.dot_dimension_numbers<[1], [0], [0], [1], [0, 0, 1, 1], [], []>, transpose_lhs_hint = false} : vector<3200x128xbf16>, vector<128x128xbf16>, vector<3200x128xf32> -> vector<3200x128xf32>
    %slice3A_71 = vector.extract_strided_slice %get3A_67 {offsets = [128, 0], sizes = [128, 128], strides = [1, 1]} : vector<256x128xbf16> to vector<128x128xbf16>
    %dot_general3A_72 = arith.constant dense<0.000000e+00> : vector<3200x128xf32>
    %dot_general3A_73 = tpu.matmul %convert_element_type3A_64, %slice3A_71, %dot_general3A_72 {dimension_numbers = #tpu.dot_dimension_numbers<[1], [0], [0], [1], [0, 0, 1, 1], [], []>, transpose_lhs_hint = false} : vector<3200x128xbf16>, vector<128x128xbf16>, vector<3200x128xf32> -> vector<3200x128xf32>
    %add3A_74 = arith.addf %dot_general3A_70, %dot_general3A_73 : vector<3200x128xf32>
    %get3A_75 = arith.constant 0 : index
    %get3A_76 = arith.constant 0 : index
    %get3A_77 = vector.load %arg13[%get3A_75, %get3A_76] : memref<1x128xf32, #tpu.memory_space<vmem>>, vector<1x128xf32>
    %add3A_78 = vector.broadcast %get3A_77 : vector<1x128xf32> to vector<3200x128xf32>
    %add3A_79 = arith.addf %add3A_74, %add3A_78 : vector<3200x128xf32>
    %max3A_80 = arith.constant 0.000000e+00 : f32
    %max3A_81 = vector.broadcast %max3A_80 : f32 to vector<3200x128xf32>
    %max3A_82 = arith.maximumf %add3A_79, %max3A_81 : vector<3200x128xf32>
    %get3A_83 = arith.constant 0 : index
    %get3A_84 = arith.constant 0 : index
    %get3A_85 = vector.load %arg14[%get3A_83, %get3A_84] : memref<128x1xf32, #tpu.memory_space<vmem>>, vector<128x1xf32>
    %dot_general3A_86 = arith.constant dense<0.000000e+00> : vector<3200x1xf32>
    %dot_general3A_87 = tpu.matmul %max3A_82, %get3A_85, %dot_general3A_86 {dimension_numbers = #tpu.dot_dimension_numbers<[1], [0], [0], [1], [0, 0, 1, 1], [], []>, transpose_lhs_hint = false} : vector<3200x128xf32>, vector<128x1xf32>, vector<3200x1xf32> -> vector<3200x1xf32>
    %get3A_88 = arith.constant 0 : index
    %get3A_89 = arith.constant 0 : index
    %get3A_90 = vector.load %arg15[%get3A_88, %get3A_89] : memref<1x1xf32, #tpu.memory_space<vmem>>, vector<1x1xf32>
    %add3A_91 = vector.broadcast %get3A_90 : vector<1x1xf32> to vector<3200x1xf32>
    %add3A_92 = arith.addf %dot_general3A_87, %add3A_91 : vector<3200x1xf32>
    %logistic3A = arith.negf %add3A_92 : vector<3200x1xf32>
    %logistic3A_93 = math.exp %logistic3A : vector<3200x1xf32>
    %logistic3A_94 = arith.constant 1.000000e+00 : f32
    %logistic3A_95 = vector.broadcast %logistic3A_94 : f32 to vector<3200x1xf32>
    %logistic3A_96 = arith.addf %logistic3A_95, %logistic3A_93 : vector<3200x1xf32>
    %logistic3A_97 = arith.divf %logistic3A_95, %logistic3A_96 : vector<3200x1xf32>
    %get3A_98 = arith.constant 0 : index
    %get3A_99 = arith.constant 0 : index
    %get3A_100 = vector.load %arg16[%get3A_98, %get3A_99] : memref<128x128xbf16, #tpu.memory_space<vmem>>, vector<128x128xbf16>
    %dot_general3A_101 = arith.constant dense<0.000000e+00> : vector<3200x128xf32>
    %dot_general3A_102 = tpu.matmul %convert_element_type3A, %get3A_100, %dot_general3A_101 {dimension_numbers = #tpu.dot_dimension_numbers<[1], [0], [0], [1], [0, 0, 1, 1], [], []>, transpose_lhs_hint = false} : vector<3200x128xbf16>, vector<128x128xbf16>, vector<3200x128xf32> -> vector<3200x128xf32>
    %get3A_103 = arith.constant 0 : index
    %get3A_104 = arith.constant 0 : index
    %get3A_105 = vector.load %arg17[%get3A_103, %get3A_104] : memref<1x128xf32, #tpu.memory_space<vmem>>, vector<1x128xf32>
    %add3A_106 = vector.broadcast %get3A_105 : vector<1x128xf32> to vector<3200x128xf32>
    %add3A_107 = arith.addf %dot_general3A_102, %add3A_106 : vector<3200x128xf32>
    %max3A_108 = arith.constant 0.000000e+00 : f32
    %max3A_109 = vector.broadcast %max3A_108 : f32 to vector<3200x128xf32>
    %max3A_110 = arith.maximumf %add3A_107, %max3A_109 : vector<3200x128xf32>
    %get3A_111 = arith.constant 0 : index
    %get3A_112 = arith.constant 0 : index
    %get3A_113 = vector.load %arg18[%get3A_111, %get3A_112] : memref<128x64xf32, #tpu.memory_space<vmem>>, vector<128x64xf32>
    %dot_general3A_114 = arith.constant dense<0.000000e+00> : vector<3200x64xf32>
    %dot_general3A_115 = tpu.matmul %max3A_110, %get3A_113, %dot_general3A_114 {dimension_numbers = #tpu.dot_dimension_numbers<[1], [0], [0], [1], [0, 0, 1, 1], [], []>, transpose_lhs_hint = false} : vector<3200x128xf32>, vector<128x64xf32>, vector<3200x64xf32> -> vector<3200x64xf32>
    %get3A_116 = arith.constant 0 : index
    %get3A_117 = arith.constant 0 : index
    %get3A_118 = vector.load %arg19[%get3A_116, %get3A_117] : memref<1x64xf32, #tpu.memory_space<vmem>>, vector<1x64xf32>
    %add3A_119 = vector.broadcast %get3A_118 : vector<1x64xf32> to vector<3200x64xf32>
    %add3A_120 = arith.addf %dot_general3A_115, %add3A_119 : vector<3200x64xf32>
    %mul3A = arith.mulf %select_n3A, %logistic3A_97 : vector<3200x1xf32>
    %mul3A_121 = vector.broadcast %mul3A : vector<3200x1xf32> to vector<3200x64xf32>
    %mul3A_122 = arith.mulf %mul3A_121, %add3A_120 : vector<3200x64xf32>
    %swap3A = arith.constant 0 : index
    %swap3A_123 = arith.constant 0 : index
    %swap3A_124 = vector.load %arg20[%swap3A, %swap3A_123] : memref<3200x64xf32, #tpu.memory_space<vmem>>, vector<3200x64xf32>
    tpu.vector_store %arg20[%swap3A, %swap3A_123], %mul3A_122 {strides = array<i32>} : memref<3200x64xf32, #tpu.memory_space<vmem>>, vector<3200x64xf32>,
    return
  }
  func.func @transform_0(%arg0: i32) -> (i32, i32) {
    %c0_i32 = arith.constant 0 : i32
    %c0_i32_0 = arith.constant 0 : i32
    return %arg0, %c0_i32 : i32, i32
  }
  func.func @transform_1(%arg0: i32) -> (i32, i32) {
    %c0_i32 = arith.constant 0 : i32
    %c0_i32_0 = arith.constant 0 : i32
    return %arg0, %c0_i32 : i32, i32
  }
  func.func @transform_2(%arg0: i32) -> (i32, i32) {
    %c0_i32 = arith.constant 0 : i32
    %c0_i32_0 = arith.constant 0 : i32
    return %arg0, %c0_i32 : i32, i32
  }
  func.func @transform_3(%arg0: i32) -> (i32, i32) {
    %c0_i32 = arith.constant 0 : i32
    %c0_i32_0 = arith.constant 0 : i32
    return %arg0, %c0_i32 : i32, i32
  }
  func.func @transform_4(%arg0: i32) -> (i32, i32) {
    %c0_i32 = arith.constant 0 : i32
    %c0_i32_0 = arith.constant 0 : i32
    return %arg0, %c0_i32 : i32, i32
  }
  func.func @transform_5(%arg0: i32) -> (i32, i32) {
    %c0_i32 = arith.constant 0 : i32
    %c0_i32_0 = arith.constant 0 : i32
    %c0_i32_1 = arith.constant 0 : i32
    return %c0_i32, %c0_i32_0 : i32, i32
  }
  func.func @transform_6(%arg0: i32) -> (i32, i32) {
    %c0_i32 = arith.constant 0 : i32
    %c0_i32_0 = arith.constant 0 : i32
    %c0_i32_1 = arith.constant 0 : i32
    return %c0_i32, %c0_i32_0 : i32, i32
  }
  func.func @transform_7(%arg0: i32) -> (i32, i32) {
    %c0_i32 = arith.constant 0 : i32
    %c0_i32_0 = arith.constant 0 : i32
    %c0_i32_1 = arith.constant 0 : i32
    return %c0_i32, %c0_i32_0 : i32, i32
  }
  func.func @transform_8(%arg0: i32) -> (i32, i32) {
    %c0_i32 = arith.constant 0 : i32
    %c0_i32_0 = arith.constant 0 : i32
    %c0_i32_1 = arith.constant 0 : i32
    return %c0_i32, %c0_i32_0 : i32, i32
  }
  func.func @transform_9(%arg0: i32) -> (i32, i32) {
    %c0_i32 = arith.constant 0 : i32
    %c0_i32_0 = arith.constant 0 : i32
    %c0_i32_1 = arith.constant 0 : i32
    return %c0_i32, %c0_i32_0 : i32, i32
  }
  func.func @transform_10(%arg0: i32) -> (i32, i32) {
    %c0_i32 = arith.constant 0 : i32
    %c0_i32_0 = arith.constant 0 : i32
    %c0_i32_1 = arith.constant 0 : i32
    return %c0_i32, %c0_i32_0 : i32, i32
  }
  func.func @transform_11(%arg0: i32) -> (i32, i32) {
    %c0_i32 = arith.constant 0 : i32
    %c0_i32_0 = arith.constant 0 : i32
    %c0_i32_1 = arith.constant 0 : i32
    return %c0_i32, %c0_i32_0 : i32, i32
  }
  func.func @transform_12(%arg0: i32) -> (i32, i32) {
    %c0_i32 = arith.constant 0 : i32
    %c0_i32_0 = arith.constant 0 : i32
    %c0_i32_1 = arith.constant 0 : i32
    return %c0_i32, %c0_i32_0 : i32, i32
  }
  func.func @transform_13(%arg0: i32) -> (i32, i32) {
    %c0_i32 = arith.constant 0 : i32
    %c0_i32_0 = arith.constant 0 : i32
    %c0_i32_1 = arith.constant 0 : i32
    return %c0_i32, %c0_i32_0 : i32, i32
  }
  func.func @transform_14(%arg0: i32) -> (i32, i32) {
    %c0_i32 = arith.constant 0 : i32
    %c0_i32_0 = arith.constant 0 : i32
    %c0_i32_1 = arith.constant 0 : i32
    return %c0_i32, %c0_i32_0 : i32, i32
  }
  func.func @transform_15(%arg0: i32) -> (i32, i32) {
    %c0_i32 = arith.constant 0 : i32
    %c0_i32_0 = arith.constant 0 : i32
    %c0_i32_1 = arith.constant 0 : i32
    return %c0_i32, %c0_i32_0 : i32, i32
  }
  func.func @transform_16(%arg0: i32) -> (i32, i32) {
    %c0_i32 = arith.constant 0 : i32
    %c0_i32_0 = arith.constant 0 : i32
    %c0_i32_1 = arith.constant 0 : i32
    return %c0_i32, %c0_i32_0 : i32, i32
  }
  func.func @transform_17(%arg0: i32) -> (i32, i32) {
    %c0_i32 = arith.constant 0 : i32
    %c0_i32_0 = arith.constant 0 : i32
    %c0_i32_1 = arith.constant 0 : i32
    return %c0_i32, %c0_i32_0 : i32, i32
  }
  func.func @transform_18(%arg0: i32) -> (i32, i32) {
    %c0_i32 = arith.constant 0 : i32
    %c0_i32_0 = arith.constant 0 : i32
    %c0_i32_1 = arith.constant 0 : i32
    return %c0_i32, %c0_i32_0 : i32, i32
  }
  func.func @transform_19(%arg0: i32) -> (i32, i32) {
    %c0_i32 = arith.constant 0 : i32
    %c0_i32_0 = arith.constant 0 : i32
    return %arg0, %c0_i32 : i32, i32
  }
}

module attributes {stable_mosaic.version = 14 : i64} {
  func.func @_combine_body(%arg0: memref<2x10000x64xf32, #tpu.memory_space<vmem>>, %arg1: memref<10000x64xf32, #tpu.memory_space<vmem>>) attributes {dimension_semantics = [], scalar_prefetch = 0 : i64, scratch_operands = 0 : i64, tpu.core_type = #tpu.core_type<tc>} {
    %get3A = arith.constant 0 : index
    %get3A_0 = arith.constant 0 : index
    %get3A_1 = arith.constant 0 : index
    %get3A_2 = vector.load %arg0[%get3A, %get3A_0, %get3A_1] : memref<2x10000x64xf32, #tpu.memory_space<vmem>>, vector<1x10000x64xf32>
    %get3A_3 = vector.shape_cast %get3A_2 : vector<1x10000x64xf32> to vector<10000x64xf32>
    %get3A_4 = arith.constant 1 : index
    %get3A_5 = arith.constant 0 : index
    %get3A_6 = arith.constant 0 : index
    %get3A_7 = vector.load %arg0[%get3A_4, %get3A_5, %get3A_6] : memref<2x10000x64xf32, #tpu.memory_space<vmem>>, vector<1x10000x64xf32>
    %get3A_8 = vector.shape_cast %get3A_7 : vector<1x10000x64xf32> to vector<10000x64xf32>
    %add3A = arith.addf %get3A_3, %get3A_8 : vector<10000x64xf32>
    %swap3A = arith.constant 0 : index
    %swap3A_9 = arith.constant 0 : index
    %swap3A_10 = vector.load %arg1[%swap3A, %swap3A_9] : memref<10000x64xf32, #tpu.memory_space<vmem>>, vector<10000x64xf32>
    tpu.vector_store %arg1[%swap3A, %swap3A_9], %add3A {strides = array<i32>} : memref<10000x64xf32, #tpu.memory_space<vmem>>, vector<10000x64xf32>,
    return
  }
}

</mosaic_0001>

<sc_bundles>
// kernel: kernel.6.cloned.1.call-start
scs
__scs_entry_jumppad:
0x0: {  	(pc) =	sbr.rel $0x88, $3  }
0x1: {  	(tag) =	ssettag $0x0;
	lr =	simm.s32 $0x1  }
0x2: {  	[smem:$0x3F8F] =	sst lr;
	_ =	strace $0xD0000000  }
0x3: {  	_ = 	snop  }
0x4: {  	_ = 	snop  }
0x5: {  	_ = 	snop  }
0x6: {  	_ = 	snop  }
0x7: {  	_ = 	snop  }
__scs_overlays_trampoline_lowered:
0x8: {  	[smem:$0x3F9E] =	sst s0  }
0x9: {  	[smem:$0x3F9F] =	sst s1  }
0xa: {  	[smem:$0x3FA0] =	sst s2  }
0xb: {  	[smem:$0x3FA1] =	sst s3  }
0xc: {  	[smem:$0x3FA2] =	sst s4  }
0xd: {  	[smem:$0x3FA3] =	sst s5  }
0xe: {  	[smem:$0x3FA4] =	sst s6  }
0xf: {  	[smem:$0x3FA5] =	sst s7  }
0x10: {  	[smem:$0x3FA6] =	sst s8  }
0x11: {  	[smem:$0x3FA7] =	sst s9;
	s0 =	simm.s32 @!p0 $0x0  }
0x12: {  	s1 =	sld [smem:$0x3F8D];
	s0 =	simm.s32 @p0 $0x1  }
0x13: {  	[smem:$0x3FA8] =	sst s0;
	s0 =	simm.s32 @!p1 $0x0  }
0x14: {  	s2 =	sld [smem:$0x3F8C];
	s0 =	simm.s32 @p1 $0x1  }
0x15: {  	[smem:$0x3FA9] =	sst s0;
	s0 =	simm.s32 @!p2 $0x0  }
0x16: {  	s3 =	sld [smem:$0x3FDB];
	s0 =	simm.s32 @p2 $0x1  }
0x17: {  	s4 =	simm.s32 $0x1BF5;
	[smem:$0x3FAB] =	sst s0  }
0x18: {  	s0 =	sld [smem:$0x3F8E];
	_ =	swait.ge [sflag:s4], $0x0  }
0x19: {  	s7 =	sld [smem:$0x3F8F]  }
0x1a: {  	s8 =	sadd.s32 $0xFFFFE003, lr  }
0x1b: {  	s9 =	sadd.s32 $0xFFFFFEF7, lr;
	s5 =	simm.s32 $0xFFFFFFFF;
	p2 =	slt.u32 s8, $0xFFFFF086  }
0x1c: {  	p1 =	slt.u32 s9, $0xF7A;
	s5 =	simm.s32 @!p2 $0x0  }
0x1d: {  	s5 =	simm.s32 @p1 $0x1;
	p0 =	seq.s32 s7, s2  }
0x1e: {  	s7 =	smul.u32 @!p0 $0xF7A, s2;
	p2 =	seq.s32 @!p0 s5, $0x0  }
0x1f: {  	s9 =	smul.u32 $0xF7A, s1;
	s8 =	simm.s32 @!p0 $0x1BF5;
	p2 =	por !p2, p0  }
0x20: {  	[sflag:s8] =	ssyncset.s32 @!p0 $0xFFFFF086;
	s6 =	sadd.s32 @!p0 s3, s7;
	s7 =	simm.s32 @!p0 $0x108  }
0x21: {  	s3 =	sadd.s32 s3, s9;
	s6 =	sadd.s32 @!p0 $0x88, s6;
	s7 =	simm.s32 @p2 $0x1082  }
0x22: {  	[simem:s7], [sflag:s8] =	dma.local @!p0 [hbm:s6], $0xF7A  }
0x23: {  	s9 =	sor.u32 $0xD0000000, s2;
	s6 =	simm.s32 $0x108;
	_ =	swait.ge @!p0 [sflag:s8], $0x0  }
0x24: {  	s3 =	sadd.s32 $0x88, s3;
	s6 =	simm.s32 @!p1 $0x1082;
	[sflag:s4] =	ssyncset.s32 $0xFFFFF086  }
0x25: {  	[simem:s6], [sflag:s4] =	dma.local [hbm:s3], $0xF7A  }
0x26: {  	[smem:$0x3F8F] =	sst s1;
	(tag) =	ssettag s2;
	_ =	strace s9  }
0x27: {  	s1 =	sld [smem:$0x3F9F]  }
0x28: {  	s2 =	sld [smem:$0x3FA0]  }
0x29: {  	s4 =	sld [smem:$0x3FA2]  }
0x2a: {  	p0 =	seq.s32 s5, $0x0;
	s5 =	sld [smem:$0x3FA3]  }
0x2b: {  	s6 =	sld [smem:$0x3FA4]  }
0x2c: {  	s7 =	sld [smem:$0x3FA5]  }
0x2d: {  	s3 =	simm.s32 $0x108;
	s8 =	sld [smem:$0x3FA6]  }
0x2e: {  	s3 =	simm.s32 @!p0 $0x1082;
	s9 =	sld [smem:$0x3FA7]  }
0x2f: {  	lr =	sadd.s32 s0, s3;
	s0 =	sld [smem:$0x3F9E]  }
0x30: {  	s3 =	sld [smem:$0x3FA1]  }
0x31: {  	[smem:$0x3FAA] =	sst s10  }
0x32: {  	s10 =	sld [smem:$0x3FA8];
	_ =	sdelay $0x3  }
0x33: {  	p0 =	seq.s32 s10, $0x1;
	s10 =	sld [smem:$0x3FAA];
	_ =	sdelay $0x3  }
0x34: {  	[smem:$0x3FAA] =	sst s10  }
0x35: {  	s10 =	sld [smem:$0x3FA9];
	_ =	sdelay $0x3  }
0x36: {  	p1 =	seq.s32 s10, $0x1;
	s10 =	sld [smem:$0x3FAA];
	_ =	sdelay $0x3  }
0x37: {  	[smem:$0x3FAA] =	sst s10  }
0x38: {  	s10 =	sld [smem:$0x3FAB]  }
0x39: {  	_ = 	snop;
	(pc) =	sbr.ind lr, $3  }
0x3a: {  	_ = 	snop  }
0x3b: {  	_ = 	snop  }
0x3c: {  	p2 =	seq.s32 s10, $0x1;
	s10 =	sld [smem:$0x3FAA]  }
0x3d: {  	_ =	shalt  }
0x3e: {  	_ =	shalt  }
0x3f: {  	_ =	shalt  }
0x40: {  	_ =	shalt  }
0x41: {  	_ =	shalt  }
0x42: {  	_ =	shalt  }
0x43: {  	_ =	shalt  }
0x44: {  	_ =	shalt  }
0x45: {  	_ =	shalt  }
0x46: {  	_ =	shalt  }
0x47: {  	_ =	shalt  }
0x48: {  	_ =	shalt  }
0x49: {  	_ =	shalt  }
0x4a: {  	_ =	shalt  }
0x4b: {  	_ =	shalt  }
0x4c: {  	_ =	shalt  }
0x4d: {  	_ =	shalt  }
0x4e: {  	_ =	shalt  }
0x4f: {  	_ =	shalt  }
0x50: {  	_ =	shalt  }
0x51: {  	_ =	shalt  }
0x52: {  	_ =	shalt  }
0x53: {  	_ =	shalt  }
0x54: {  	_ =	shalt  }
0x55: {  	_ =	shalt  }
0x56: {  	_ =	shalt  }
0x57: {  	_ =	shalt  }
0x58: {  	_ =	shalt  }
0x59: {  	_ =	shalt  }
0x5a: {  	_ =	shalt  }
0x5b: {  	_ =	shalt  }
0x5c: {  	_ =	shalt  }
0x5d: {  	_ =	shalt  }
0x5e: {  	_ =	shalt  }
0x5f: {  	_ =	shalt  }
0x60: {  	_ =	shalt  }
0x61: {  	_ =	shalt  }
0x62: {  	_ =	shalt  }
0x63: {  	_ =	shalt  }
0x64: {  	_ =	shalt  }
0x65: {  	_ =	shalt  }
0x66: {  	_ =	shalt  }
0x67: {  	_ =	shalt  }
0x68: {  	_ =	shalt  }
0x69: {  	_ =	shalt  }
0x6a: {  	_ =	shalt  }
0x6b: {  	_ =	shalt  }
0x6c: {  	_ =	shalt  }
0x6d: {  	_ =	shalt  }
0x6e: {  	_ =	shalt  }
0x6f: {  	_ =	shalt  }
0x70: {  	_ =	shalt  }
0x71: {  	_ =	shalt  }
0x72: {  	_ =	shalt  }
0x73: {  	_ =	shalt  }
0x74: {  	_ =	shalt  }
0x75: {  	_ =	shalt  }
0x76: {  	_ =	shalt  }
0x77: {  	_ =	shalt  }
0x78: {  	_ =	shalt  }
0x79: {  	_ =	shalt  }
0x7a: {  	_ =	shalt  }
0x7b: {  	_ =	shalt  }
0x7c: {  	_ =	shalt  }
0x7d: {  	_ =	shalt  }
0x7e: {  	_ =	shalt  }
0x7f: {  	_ =	shalt  }
0x80: {  	_ =	shalt  }
0x81: {  	_ =	shalt  }
0x82: {  	_ =	shalt  }
0x83: {  	_ =	shalt  }
0x84: {  	_ =	shalt  }
0x85: {  	_ =	shalt  }
0x86: {  	_ =	shalt  }
0x87: {  	_ =	shalt  }
.Lfunc_end0:
.L_simem_size_0:
called_computation_lowered:
.L_overlay_start_0:
0x88: {  	s2 =	sld [smem:$0x3FD9]  }
0x89: {  	s3 =	sld [smem:$0x3FFE];
	_ =	sdelay $0x1  }
0x8a: {  	s1 =	srdreg.scid  }
0x8b: {  	s0 =	sand.u32 $0x1, s1  }
0x8c: {  	s17 =	sshll.u32 s0, $0xA;
	s2 =	sadd.s32 s3, s2  }
0x8d: {  	s2 =	sadd.s32 s2, s17  }
0x8e: {  	[smem:$0x3FB6] =	sst s2  }
0x8f: {  	_ = 	snop  }
0x90: {  	s2 =	sld [smem:$0x3FC9]  }
0x91: {  	s18 =	sld [smem:$0x3FD0];
	(tm) =	ssettm $0x1  }
0x92: {  	s4 =	sld [smem:$0x3FFB];
	_ =	sdelay $0x3  }
0x93: {  	_ =	strace s4  }
0x94: {  	s4 =	sld [smem:$0x3FFC];
	_ =	sdelay $0x3  }
0x95: {  	_ =	strace s4  }
0x96: {  	s4 =	sld [smem:$0x3FFD];
	_ =	sdelay $0x3  }
0x97: {  	_ =	strace s4  }
0x98: {  	_ =	strace $0x8FFFFFFF  }
0x99: {  	s19 =	sld [smem:$0x3FDB];
	_ =	sdelay $0x1  }
0x9a: {  	s5 =	simm.s32 $_scs_section_size  }
0x9b: {  	s6 =	simm.s32 $_size__tile_overlayer_lowered;
	s7 =	simm.s32 $_tile_overlayer_lowered  }
0x9c: {  	s22 =	simm.s32 $0x1BFF;
	s21 =	sshll.u32 s7, $0x1;
	s4 =	sadd.s32 s5, s19  }
0x9d: {  	s8 =	simm.s32 $0x0;
	s20 =	sshll.u32 s6, $0x1;
	s6 =	sadd.s32 s21, s4  }
0x9e: {  	[timem:s8], [sflag:s22] =	dma.local [hbm:s6], s20  }
0x9f: {  	_ =	swait.ge [sflag:s22], s20  }
0xa0: {  	s5 =	ssub.s32 $0x0, s20;
	[sflag:s22] =	ssyncset.done $0x0  }
0xa1: {  	[sflag:s22] =	ssyncadd.s32 s5;
	_ =	sdelay $0x1  }
0xa2: {  	s23 =	simm.s32 $0x1B8B  }
0xa3: {  	_ =	swait.ge [sflag:s23], $0x1  }
0xa4: {  	[sflag:s23] =	ssyncset.done $0x0  }
0xa5: {  	s25 =	simm.s32 $0x1B8E;
	s24 =	sld [smem:$0x3FFE];
	[sflag:s23] =	ssyncadd.s32 $0xFFFFFFFF  }
0xa6: {  	s26 =	simm.s32 $execute0_lowered;
	[smem:$0x3FD2] =	sst s25  }
0xa7: {  	s6 =	sshll.u32 s26, $0x1;
	_ =	strace $0x80000046;
	[dreg:$0x1] =	wrdreg $0xFFFFFFFF  }
0xa8: {  	s28 =	simm.s32 $_size_execute0_lowered;
	s4 =	sadd.s32 s4, s6;
	[dreg:$0x0] =	wrdreg $0x0  }
0xa9: {  	s6 =	sshll.u32 s28, $0x1;
	[dreg:$0x2] =	wrdreg s4  }
0xaa: {  	[dreg:$0x3] =	wrdreg s6  }
0xab: {  	[dreg:$0x4] =	wrdreg $0xC0  }
0xac: {  	_ =	task [dreg:s8], $0x5FFFF  }
0xad: {  	[dreg:$0x1] =	wrdreg $0xFFFFFFFF  }
0xae: {  	[dreg:$0x0] =	wrdreg $0x60  }
0xaf: {  	[dreg:$0x2] =	wrdreg s2  }
0xb0: {  	[dreg:$0x3] =	wrdreg s24  }
0xb1: {  	[dreg:$0x4] =	wrdreg s18  }
0xb2: {  	[dreg:$0x5] =	wrdreg $0x9  }
0xb3: {  	_ =	task.clear_ibuf [dreg:s8], $0x6FFFF;
	_ =	strace $0x90000046  }
0xb4: {  	s29 =	simm.s32 $0x9;
	_ =	strace $0x80000048  }
0xb5: {  	_ =	swait.ge [sflag:s29], $0x1  }
0xb6: {  	[sflag:s29] =	ssyncadd.s32 $0xFFFFFFFF  }
0xb7: {  	_ =	strace $0x90000048  }
0xb8: {  	_ =	sfence  }
0xb9: {  	s30 =	sld [smem:$0x0];
	_ =	sdelay $0x2  }
0xba: {  	s31 =	sshll.u32 s1, $0xD;
	s1 =	sshrl.u32 s1, $0x2  }
0xbb: {  	s3 =	sand.u32 $0x4000, s31;
	s1 =	sadd.s32 s1, s30  }
0xbc: {  	s0 =	sor.u32 s3, s0;
	s1 =	sshll.u32 s1, $0x11  }
0xbd: {  	s0 =	sor.u32 s1, s0  }
0xbe: {  	s0 =	sadd.s32 $0x8F2B, s0  }
0xbf: {  	[sflag:s0] =	ssyncadd.remote.s32 $0x1  }
0xc0: {  	_ =	sfence.sel $0xFFFF  }
0xc1: {  	[dreg:$0x0] =	wrdreg $0xFFFFFFFF;
	(pc) =	sbr.abs _section_cstart, $3  }
0xc2: {  	[dreg:$0x1] =	wrdreg $0xFFFFFFFF  }
0xc3: {  	_ =	task.clear_ibuf [dreg:s8], $0x2FFFF;
	_ =	strace $0x9FFFFFFF  }
0xc4: {  	(tm) =	ssettm $0x7FFFFFFF  }
0xc5: {  	_ =	shalt  }
tec
execute0_lowered:
.L_overlay_start_1:
0x0: {  	(tag) =	ssettag $0x1  }
0x1: {  	s1 =	rddreg [dreg:$0x0]  }
0x2: {  	s0 =	rddreg [dreg:$0x1]  }
0x3: {  	s16 =	rddreg [dreg:$0x2]  }
0x4: {  	s2 =	srdreg.scid;
	s3 =	stileid.u32;
	s4 =	simm.s32 $0x0  }
0x5: {  	s28 =	simm.s32 $0xB040;
	s29 =	simm.s32 $0x1;
	s30 =	simm.s32 $0x2  }
0x6: {  	s31 =	simm.s32 $0x3;
	s2 =	sand.u32 $0x1, s2;
	s5 =	sshll.u32 s3, $0x1  }
0x7: {  	[smem:$0x7FF] =	sst s4;
	s21 =	sadd.s32 $0x3400, s0;
	s8 =	sadd.s32 $0x14AA00, s0  }
0x8: {  	s9 =	smul.u32 $0x4E20, s3;
	s10 =	sadd.s32 $0x62CA00, s0;
	s11 =	sadd.s32 $0xAE600, s0  }
0x9: {  	s6 =	sor.u32 s2, s5;
	_ =	strace $0x80000047;
	s12 =	smul.u32 $0x2710, s2  }
0xa: {  	s5 =	sadd.s32 $0xD200, s0;
	s13 =	ssub.s32 $0x2, s2;
	s7 =	smul.u32 $0x2710, s6  }
0xb: {  	s0 =	sadd.s32 $0x12200, s0;
	[dreg:$0xc] =	wrdreg s21;
	s14 =	sshrl.u32 s13, $0x1  }
0xc: {  	s9 =	sadd.s32 s12, s9;
	s12 =	ssub.s32 s13, s14;
	s7 =	sadd.s32 $0x26C0, s7  }
0xd: {  	s14 =	sadd.s32 $0x50, s9;
	s15 =	sshrl.u32 s7, $0x3;
	s23 =	sshll.u32 s7, $0x4  }
0xe: {  	s24 =	sshrl.u32 s14, $0x4;
	s7 =	sshll.u32 s7, $0x1;
	s22 =	sadd.s32 s16, s15  }
0xf: {  	s14 =	sshrl.u32 s14, $0x3;
	s6 =	sadd.s32 s21, s15;
	[dreg:$0xd] =	wrdreg s22  }
0x10: {  	s25 =	sadd.s32 s8, s23;
	s26 =	sshll.u32 s24, $0x5;
	[dreg:$0xe] =	wrdreg s6  }
0x11: {  	s13 =	sadd.s32 s10, s23;
	s17 =	sadd.s32 s11, s7;
	[dreg:$0xf] =	wrdreg s25  }
0x12: {  	s15 =	sshll.u32 s24, $0x8;
	s21 =	smul.u32 $0x9C40, s3;
	[dreg:$0x10] =	wrdreg s13  }
0x13: {  	s23 =	smul.u32 $0x4E20, s2;
	[dreg:$0x11] =	wrdreg s17;
	s18 =	sadd.s32 s26, s11  }
0x14: {  	s2 =	smul.u32 $0x27100, s2;
	s19 =	sadd.s32 s26, s0;
	[dreg:$0x4] =	wrdreg s18  }
0x15: {  	s16 =	simm.s32 $0x5;
	s20 =	sadd.s32 s15, s8;
	[dreg:$0x5] =	wrdreg s19  }
0x16: {  	s22 =	sadd.s32 s15, s10;
	s17 =	smul.u32 $0x4E200, s3;
	[dreg:$0x6] =	wrdreg s20  }
0x17: {  	s26 =	smax.u32 s12, $0x1;
	s15 =	sshrl.u32 s9, $0x3;
	[dreg:$0x7] =	wrdreg s22  }
0x18: {  	s24 =	sadd.s32 s21, s0;
	s11 =	sadd.s32 s21, s11;
	s0 =	sadd.s32 s0, s7  }
0x19: {  	[dreg:$0x13] =	wrdreg s26;
	s18 =	simm.s32 $0x50;
	s19 =	simm.s32 $0xF0  }
0x1a: {  	s20 =	simm.s32 $0x140;
	s21 =	simm.s32 $0x5140;
	s22 =	simm.s32 $0xA140  }
0x1b: {  	s26 =	simm.s32 $0xA640;
	s13 =	sadd.s32 s23, s24;
	s11 =	sadd.s32 s23, s11  }
0x1c: {  	s10 =	sadd.s32 s17, s10;
	s8 =	sadd.s32 s17, s8;
	[dreg:$0x12] =	wrdreg s0  }
0x1d: {  	s17 =	simm.s32 $0xA0;
	s23 =	simm.s32 $0xAB40;
	[dreg:$0x8] =	wrdreg s13  }
0x1e: {  	s24 =	simm.s32 $0x2940;
	[dreg:$0x9] =	wrdreg s11;
	s10 =	sadd.s32 s2, s10  }
0x1f: {  	s0 =	simm.s32 $0x4;
	s25 =	sadd.s32 s2, s8;
	[dreg:$0xa] =	wrdreg s10  }
0x20: {  	s2 =	simm.s32 $0x0;
	[dreg:$0xb] =	wrdreg s25;
	s25 =	simm.s32 $0x7940  }
.LBB2_1:
0x21: {  	s3 =	rddreg [dreg:$0x2]  }
0x22: {  	s7 =	sadd.s32 s3, s15  }
0x23: {  	[tilespmem:s4], [sflag:$0x5] =	stream.linear.gather [hbm4b:s7+s4], $0x50, $0x38;
	[tilespmem:$0xB540] =	vst v63  }
0x24: {  	_ =	swait.ge [sflag:s16], $0x50  }
0x25: {  	[sflag:s16] =	ssyncset.done $0x0;
	s6 =	rddreg [dreg:$0xc]  }
0x26: {  	[sflag:s16] =	ssyncadd.s32 $0xFFFFFFB0;
	s8 =	sadd.s32 s6, s15  }
0x27: {  	[tilespmem:s17], [sflag:$0x5] =	stream.linear.gather [hbm4b:s8+s4], $0x50, $0x38;
	[tilespmem:$0xB540] =	vst v63  }
0x28: {  	_ =	swait.ge [sflag:s16], $0x50  }
0x29: {  	[sflag:s16] =	ssyncset.done $0x0  }
0x2a: {  	s9 =	sadd.s32 s3, s14;
	[sflag:s16] =	ssyncadd.s32 $0xFFFFFFB0  }
0x2b: {  	[tilespmem:s18], [sflag:$0x5] =	stream.linear.gather [hbm4b:s9+s4], $0x50, $0x38;
	[tilespmem:$0xB540] =	vst v63  }
0x2c: {  	_ =	swait.ge [sflag:s16], $0x50  }
0x2d: {  	[sflag:s16] =	ssyncset.done $0x0  }
0x2e: {  	s10 =	sadd.s32 s6, s14;
	[sflag:s16] =	ssyncadd.s32 $0xFFFFFFB0  }
0x2f: {  	[tilespmem:s19], [sflag:$0x5] =	stream.linear.gather [hbm4b:s10+s4], $0x50, $0x38;
	[tilespmem:$0xB540] =	vst v63  }
0x30: {  	_ =	swait.ge [sflag:s16], $0x50  }
0x31: {  	[sflag:s16] =	ssyncset.done $0x0  }
0x32: {  	[sflag:s16] =	ssyncadd.s32 $0xFFFFFFB0  }
0x33: {  	[tilespmem:s20], [sflag:$0x1] =	stream.indirect.gather [hbm4b:s1+s18], $0x80, s4, s18, $0xb8;
	[tilespmem:$0xB540] =	vst v63  }
0x34: {  	_ = 	snop  }
0x35: {  	[tilespmem:s21], [sflag:$0x1] =	stream.indirect.gather [hbm4b:s1+s18], $0x80, s17, s18, $0xb8;
	[tilespmem:$0xB540] =	vst v63  }
0x36: {  	_ = 	snop  }
0x37: {  	[tilespmem:s22], [sflag:$0x1] =	stream.indirect.gather [hbm4b:s5+s18], $0x10, s4, s18, $0xb8;
	[tilespmem:$0xB540] =	vst v63  }
0x38: {  	_ = 	snop  }
0x39: {  	[tilespmem:s23], [sflag:$0x1] =	stream.indirect.gather [hbm4b:s5+s18], $0x10, s17, s18, $0xb8;
	[tilespmem:$0xB540] =	vst v63  }
0x3a: {  	_ = 	snop  }
0x3b: {  	[tilespmem:s24], [sflag:$0x2] =	stream.indirect.gather [hbm4b:s1+s18], $0x80, s18, s18, $0xb8;
	[tilespmem:$0xB540] =	vst v63  }
0x3c: {  	_ = 	snop  }
0x3d: {  	[tilespmem:s25], [sflag:$0x2] =	stream.indirect.gather [hbm4b:s1+s18], $0x80, s19, s18, $0xb8;
	[tilespmem:$0xB540] =	vst v63  }
0x3e: {  	_ = 	snop  }
0x3f: {  	[tilespmem:s26], [sflag:$0x2] =	stream.indirect.gather [hbm4b:s5+s18], $0x10, s18, s18, $0xb8;
	[tilespmem:$0xB540] =	vst v63  }
0x40: {  	_ = 	snop  }
0x41: {  	[tilespmem:s28], [sflag:$0x2] =	stream.indirect.gather [hbm4b:s5+s18], $0x10, s19, s18, $0xb8;
	[tilespmem:$0xB540] =	vst v63  }
0x42: {  	_ =	swait.ge [sflag:s29], $0x2800  }
0x43: {  	[sflag:s29] =	ssyncset.done $0x0  }
0x44: {  	[sflag:s29] =	ssyncadd.s32 $0xFFFFD800  }
0x45: {  	_ =	swait.ge [sflag:s29], $0x2800  }
0x46: {  	[sflag:s29] =	ssyncset.done $0x0  }
0x47: {  	[sflag:s29] =	ssyncadd.s32 $0xFFFFD800  }
0x48: {  	_ =	swait.ge [sflag:s29], $0x500  }
0x49: {  	[sflag:s29] =	ssyncset.done $0x0  }
0x4a: {  	[sflag:s29] =	ssyncadd.s32 $0xFFFFFB00  }
0x4b: {  	_ =	swait.ge [sflag:s29], $0x500  }
0x4c: {  	s11 =	rddreg [dreg:$0xb];
	[sflag:s29] =	ssyncset.done $0x0  }
0x4d: {  	s8 =	rddreg [dreg:$0xa];
	[sflag:s29] =	ssyncadd.s32 $0xFFFFFB00;
	s7 =	sadd.s32 $0x0, s11  }
0x4e: {  	[hbm4b:s7+s4] =	stream.linear.scatter [tilespmem:s20], [sflag:$0x3], $0x2800, $0x38;
	[tilespmem:$0xB540] =	vst v63  }
0x4f: {  	s9 =	rddreg [dreg:$0x9];
	s12 =	sadd.s32 $0x0, s8  }
0x50: {  	[hbm4b:s12+s4] =	stream.linear.scatter [tilespmem:s21], [sflag:$0x3], $0x2800, $0x38;
	[tilespmem:$0xB540] =	vst v63  }
0x51: {  	s13 =	rddreg [dreg:$0x8];
	s9 =	sadd.s32 $0x0, s9  }
0x52: {  	[hbm4b:s9+s4] =	stream.linear.scatter [tilespmem:s22], [sflag:$0x3], $0x500, $0x38;
	[tilespmem:$0xB540] =	vst v63  }
0x53: {  	s10 =	sadd.s32 $0x0, s13  }
0x54: {  	[hbm4b:s10+s4] =	stream.linear.scatter [tilespmem:s23], [sflag:$0x3], $0x500, $0x38;
	[tilespmem:$0xB540] =	vst v63  }
0x55: {  	_ =	swait.ge [sflag:s30], $0x2800  }
0x56: {  	[sflag:s30] =	ssyncset.done $0x0  }
0x57: {  	[sflag:s30] =	ssyncadd.s32 $0xFFFFD800  }
0x58: {  	_ =	swait.ge [sflag:s30], $0x2800  }
0x59: {  	[sflag:s30] =	ssyncset.done $0x0  }
0x5a: {  	[sflag:s30] =	ssyncadd.s32 $0xFFFFD800  }
0x5b: {  	_ =	swait.ge [sflag:s30], $0x500  }
0x5c: {  	[sflag:s30] =	ssyncset.done $0x0  }
0x5d: {  	[sflag:s30] =	ssyncadd.s32 $0xFFFFFB00  }
0x5e: {  	_ =	swait.ge [sflag:s30], $0x500  }
0x5f: {  	s11 =	rddreg [dreg:$0x6];
	[sflag:s30] =	ssyncset.done $0x0  }
0x60: {  	s12 =	rddreg [dreg:$0x7];
	[sflag:s30] =	ssyncadd.s32 $0xFFFFFB00;
	s7 =	sadd.s32 $0x0, s11  }
0x61: {  	[hbm4b:s7+s4] =	stream.linear.scatter [tilespmem:s24], [sflag:$0x4], $0x2800, $0x38;
	[tilespmem:$0xB540] =	vst v63  }
0x62: {  	s13 =	rddreg [dreg:$0x4];
	s10 =	sadd.s32 $0x0, s12  }
0x63: {  	[hbm4b:s10+s4] =	stream.linear.scatter [tilespmem:s25], [sflag:$0x4], $0x2800, $0x38;
	[tilespmem:$0xB540] =	vst v63  }
0x64: {  	s11 =	rddreg [dreg:$0x5];
	s12 =	sadd.s32 $0x0, s13  }
0x65: {  	[hbm4b:s12+s4] =	stream.linear.scatter [tilespmem:s26], [sflag:$0x4], $0x500, $0x38;
	[tilespmem:$0xB540] =	vst v63  }
0x66: {  	s13 =	sadd.s32 $0x0, s11  }
0x67: {  	[hbm4b:s13+s4] =	stream.linear.scatter [tilespmem:s28], [sflag:$0x4], $0x500, $0x38;
	[tilespmem:$0xB540] =	vst v63  }
0x68: {  	_ =	swait.ge [sflag:s31], $0x2800  }
0x69: {  	[sflag:s31] =	ssyncset.done $0x0  }
0x6a: {  	[sflag:s31] =	ssyncadd.s32 $0xFFFFD800  }
0x6b: {  	_ =	swait.ge [sflag:s31], $0x2800  }
0x6c: {  	[sflag:s31] =	ssyncset.done $0x0  }
0x6d: {  	[sflag:s31] =	ssyncadd.s32 $0xFFFFD800  }
0x6e: {  	_ =	swait.ge [sflag:s31], $0x500  }
0x6f: {  	[sflag:s31] =	ssyncset.done $0x0  }
0x70: {  	[sflag:s31] =	ssyncadd.s32 $0xFFFFFB00  }
0x71: {  	_ =	swait.ge [sflag:s31], $0x500  }
0x72: {  	[sflag:s31] =	ssyncset.done $0x0  }
0x73: {  	[sflag:s31] =	ssyncadd.s32 $0xFFFFFB00  }
0x74: {  	_ =	swait.ge [sflag:s0], $0x2800  }
0x75: {  	[sflag:s0] =	ssyncset.done $0x0  }
0x76: {  	[sflag:s0] =	ssyncadd.s32 $0xFFFFD800  }
0x77: {  	_ =	swait.ge [sflag:s0], $0x2800  }
0x78: {  	[sflag:s0] =	ssyncset.done $0x0  }
0x79: {  	[sflag:s0] =	ssyncadd.s32 $0xFFFFD800  }
0x7a: {  	_ =	swait.ge [sflag:s0], $0x500  }
0x7b: {  	[sflag:s0] =	ssyncset.done $0x0  }
0x7c: {  	s8 =	simm.s32 $0x0;
	[sflag:s0] =	ssyncadd.s32 $0xFFFFFB00  }
0x7d: {  	s9 =	sadd.s32 $0x14, s6;
	s7 =	simm.s32 $0x140;
	_ =	swait.ge [sflag:s0], $0x500  }
0x7e: {  	s11 =	simm.s32 $0x280;
	s10 =	sadd.s32 $0x14, s3;
	[sflag:s0] =	ssyncset.done $0x0  }
.LBB2_2:
0x7f: {  	s13 =	sadd.s32 s10, s15;
	[sflag:s0] =	ssyncadd.s32 $0xFFFFFB00  }
0x80: {  	[tilespmem:s4], [sflag:$0x5] =	stream.linear.gather [hbm4b:s13+s4], $0x50, $0x38;
	[tilespmem:$0xB540] =	vst v63  }
0x81: {  	_ =	swait.ge [sflag:s16], $0x50  }
0x82: {  	[sflag:s16] =	ssyncset.done $0x0  }
0x83: {  	s3 =	sadd.s32 s9, s15;
	[sflag:s16] =	ssyncadd.s32 $0xFFFFFFB0  }
0x84: {  	[tilespmem:s17], [sflag:$0x5] =	stream.linear.gather [hbm4b:s3+s4], $0x50, $0x38;
	[tilespmem:$0xB540] =	vst v63  }
0x85: {  	_ =	swait.ge [sflag:s16], $0x50  }
0x86: {  	[sflag:s16] =	ssyncset.done $0x0  }
0x87: {  	s6 =	sadd.s32 s10, s14;
	[sflag:s16] =	ssyncadd.s32 $0xFFFFFFB0  }
0x88: {  	[tilespmem:s18], [sflag:$0x5] =	stream.linear.gather [hbm4b:s6+s4], $0x50, $0x38;
	[tilespmem:$0xB540] =	vst v63  }
0x89: {  	_ =	swait.ge [sflag:s16], $0x50  }
0x8a: {  	[sflag:s16] =	ssyncset.done $0x0  }
0x8b: {  	s3 =	sadd.s32 s9, s14;
	[sflag:s16] =	ssyncadd.s32 $0xFFFFFFB0  }
0x8c: {  	[tilespmem:s19], [sflag:$0x5] =	stream.linear.gather [hbm4b:s3+s4], $0x50, $0x38;
	[tilespmem:$0xB540] =	vst v63  }
0x8d: {  	_ =	swait.ge [sflag:s16], $0x50  }
0x8e: {  	[sflag:s16] =	ssyncset.done $0x0  }
0x8f: {  	[sflag:s16] =	ssyncadd.s32 $0xFFFFFFB0  }
0x90: {  	[tilespmem:s20], [sflag:$0x1] =	stream.indirect.gather [hbm4b:s1+s18], $0x80, s4, s18, $0xb8;
	[tilespmem:$0xB540] =	vst v63  }
0x91: {  	_ = 	snop  }
0x92: {  	[tilespmem:s21], [sflag:$0x1] =	stream.indirect.gather [hbm4b:s1+s18], $0x80, s17, s18, $0xb8;
	[tilespmem:$0xB540] =	vst v63  }
0x93: {  	_ = 	snop  }
0x94: {  	[tilespmem:s22], [sflag:$0x1] =	stream.indirect.gather [hbm4b:s5+s18], $0x10, s4, s18, $0xb8;
	[tilespmem:$0xB540] =	vst v63  }
0x95: {  	_ = 	snop  }
0x96: {  	[tilespmem:s23], [sflag:$0x1] =	stream.indirect.gather [hbm4b:s5+s18], $0x10, s17, s18, $0xb8;
	[tilespmem:$0xB540] =	vst v63  }
0x97: {  	_ = 	snop  }
0x98: {  	[tilespmem:s24], [sflag:$0x2] =	stream.indirect.gather [hbm4b:s1+s18], $0x80, s18, s18, $0xb8;
	[tilespmem:$0xB540] =	vst v63  }
0x99: {  	_ = 	snop  }
0x9a: {  	[tilespmem:s25], [sflag:$0x2] =	stream.indirect.gather [hbm4b:s1+s18], $0x80, s19, s18, $0xb8;
	[tilespmem:$0xB540] =	vst v63  }
0x9b: {  	_ = 	snop  }
0x9c: {  	[tilespmem:s26], [sflag:$0x2] =	stream.indirect.gather [hbm4b:s5+s18], $0x10, s18, s18, $0xb8;
	[tilespmem:$0xB540] =	vst v63  }
0x9d: {  	_ = 	snop  }
0x9e: {  	[tilespmem:s28], [sflag:$0x2] =	stream.indirect.gather [hbm4b:s5+s18], $0x10, s19, s18, $0xb8;
	[tilespmem:$0xB540] =	vst v63  }
0x9f: {  	_ =	swait.ge [sflag:s29], $0x2800  }
0xa0: {  	[sflag:s29] =	ssyncset.done $0x0  }
0xa1: {  	[sflag:s29] =	ssyncadd.s32 $0xFFFFD800  }
0xa2: {  	_ =	swait.ge [sflag:s29], $0x2800  }
0xa3: {  	[sflag:s29] =	ssyncset.done $0x0  }
0xa4: {  	[sflag:s29] =	ssyncadd.s32 $0xFFFFD800  }
0xa5: {  	_ =	swait.ge [sflag:s29], $0x500  }
0xa6: {  	[sflag:s29] =	ssyncset.done $0x0  }
0xa7: {  	[sflag:s29] =	ssyncadd.s32 $0xFFFFFB00  }
0xa8: {  	_ =	swait.ge [sflag:s29], $0x500  }
0xa9: {  	s8 =	sadd.s32 $0xA00, s8;
	s6 =	rddreg [dreg:$0xb];
	[sflag:s29] =	ssyncset.done $0x0  }
0xaa: {  	s3 =	rddreg [dreg:$0xa];
	[sflag:s29] =	ssyncadd.s32 $0xFFFFFB00;
	s13 =	sadd.s32 s8, s6  }
0xab: {  	[hbm4b:s13+s4] =	stream.linear.scatter [tilespmem:s20], [sflag:$0x3], $0x2800, $0x38;
	[tilespmem:$0xB540] =	vst v63  }
0xac: {  	s6 =	rddreg [dreg:$0x9];
	s3 =	sadd.s32 s8, s3  }
0xad: {  	[hbm4b:s3+s4] =	stream.linear.scatter [tilespmem:s21], [sflag:$0x3], $0x2800, $0x38;
	[tilespmem:$0xB540] =	vst v63  }
0xae: {  	s13 =	rddreg [dreg:$0x8];
	s6 =	sadd.s32 s7, s6  }
0xaf: {  	[hbm4b:s6+s4] =	stream.linear.scatter [tilespmem:s22], [sflag:$0x3], $0x500, $0x38;
	[tilespmem:$0xB540] =	vst v63  }
0xb0: {  	s6 =	sadd.s32 s7, s13  }
0xb1: {  	[hbm4b:s6+s4] =	stream.linear.scatter [tilespmem:s23], [sflag:$0x3], $0x500, $0x38;
	[tilespmem:$0xB540] =	vst v63  }
0xb2: {  	_ =	swait.ge [sflag:s30], $0x2800  }
0xb3: {  	[sflag:s30] =	ssyncset.done $0x0  }
0xb4: {  	[sflag:s30] =	ssyncadd.s32 $0xFFFFD800  }
0xb5: {  	_ =	swait.ge [sflag:s30], $0x2800  }
0xb6: {  	[sflag:s30] =	ssyncset.done $0x0  }
0xb7: {  	[sflag:s30] =	ssyncadd.s32 $0xFFFFD800  }
0xb8: {  	_ =	swait.ge [sflag:s30], $0x500  }
0xb9: {  	[sflag:s30] =	ssyncset.done $0x0  }
0xba: {  	[sflag:s30] =	ssyncadd.s32 $0xFFFFFB00  }
0xbb: {  	_ =	swait.ge [sflag:s30], $0x500  }
0xbc: {  	s13 =	rddreg [dreg:$0x6];
	[sflag:s30] =	ssyncset.done $0x0  }
0xbd: {  	s6 =	rddreg [dreg:$0x7];
	[sflag:s30] =	ssyncadd.s32 $0xFFFFFB00;
	s3 =	sadd.s32 s8, s13  }
0xbe: {  	[hbm4b:s3+s4] =	stream.linear.scatter [tilespmem:s24], [sflag:$0x4], $0x2800, $0x38;
	[tilespmem:$0xB540] =	vst v63  }
0xbf: {  	s13 =	rddreg [dreg:$0x4];
	s3 =	sadd.s32 s8, s6  }
0xc0: {  	[hbm4b:s3+s4] =	stream.linear.scatter [tilespmem:s25], [sflag:$0x4], $0x2800, $0x38;
	[tilespmem:$0xB540] =	vst v63  }
0xc1: {  	s6 =	rddreg [dreg:$0x5];
	s13 =	sadd.s32 s7, s13  }
0xc2: {  	[hbm4b:s13+s4] =	stream.linear.scatter [tilespmem:s26], [sflag:$0x4], $0x500, $0x38;
	[tilespmem:$0xB540] =	vst v63  }
0xc3: {  	s13 =	sadd.s32 s7, s6  }
0xc4: {  	[hbm4b:s13+s4] =	stream.linear.scatter [tilespmem:s28], [sflag:$0x4], $0x500, $0x38;
	[tilespmem:$0xB540] =	vst v63  }
0xc5: {  	_ =	swait.ge [sflag:s31], $0x2800  }
0xc6: {  	[sflag:s31] =	ssyncset.done $0x0  }
0xc7: {  	[sflag:s31] =	ssyncadd.s32 $0xFFFFD800  }
0xc8: {  	_ =	swait.ge [sflag:s31], $0x2800  }
0xc9: {  	[sflag:s31] =	ssyncset.done $0x0  }
0xca: {  	[sflag:s31] =	ssyncadd.s32 $0xFFFFD800  }
0xcb: {  	_ =	swait.ge [sflag:s31], $0x500  }
0xcc: {  	[sflag:s31] =	ssyncset.done $0x0  }
0xcd: {  	[sflag:s31] =	ssyncadd.s32 $0xFFFFFB00  }
0xce: {  	_ =	swait.ge [sflag:s31], $0x500  }
0xcf: {  	[sflag:s31] =	ssyncset.done $0x0  }
0xd0: {  	[sflag:s31] =	ssyncadd.s32 $0xFFFFFB00  }
0xd1: {  	_ =	swait.ge [sflag:s0], $0x2800  }
0xd2: {  	[sflag:s0] =	ssyncset.done $0x0  }
0xd3: {  	[sflag:s0] =	ssyncadd.s32 $0xFFFFD800  }
0xd4: {  	_ =	swait.ge [sflag:s0], $0x2800  }
0xd5: {  	[sflag:s0] =	ssyncset.done $0x0  }
0xd6: {  	p0 =	sne.s32 s11, $0x4C40;
	[sflag:s0] =	ssyncadd.s32 $0xFFFFD800  }
.Ltmp0:
0xd7: {  	_ =	swait.ge [sflag:s0], $0x500;
	(pc) =	sbr.rel @p0 .LBB2_2-.Ltmp0, $4  }
0xd8: {  	[sflag:s0] =	ssyncset.done $0x0  }
0xd9: {  	s12 =	smov.u32 s11;
	[sflag:s0] =	ssyncadd.s32 $0xFFFFFB00  }
0xda: {  	s11 =	sadd.s32 $0x140, s11;
	s10 =	sadd.s32 $0x14, s10;
	_ =	swait.ge [sflag:s0], $0x500  }
0xdb: {  	s9 =	sadd.s32 $0x14, s9;
	s7 =	smov.u32 s12;
	[sflag:s0] =	ssyncset.done $0x0  }
0xdc: {  	s3 =	sadd.s32 s10, s15;
	[sflag:s0] =	ssyncadd.s32 $0xFFFFFB00  }
0xdd: {  	[tilespmem:s4], [sflag:$0x5] =	stream.linear.gather [hbm4b:s3+s4], $0x50, $0x38;
	[tilespmem:$0xB540] =	vst v63  }
0xde: {  	_ =	swait.ge [sflag:s16], $0x50  }
0xdf: {  	[sflag:s16] =	ssyncset.done $0x0  }
0xe0: {  	s13 =	sadd.s32 s9, s15;
	[sflag:s16] =	ssyncadd.s32 $0xFFFFFFB0  }
0xe1: {  	[tilespmem:s17], [sflag:$0x5] =	stream.linear.gather [hbm4b:s13+s4], $0x50, $0x38;
	[tilespmem:$0xB540] =	vst v63  }
0xe2: {  	_ =	swait.ge [sflag:s16], $0x50  }
0xe3: {  	[sflag:s16] =	ssyncset.done $0x0  }
0xe4: {  	s6 =	sadd.s32 s10, s14;
	[sflag:s16] =	ssyncadd.s32 $0xFFFFFFB0  }
0xe5: {  	[tilespmem:s18], [sflag:$0x5] =	stream.linear.gather [hbm4b:s6+s4], $0x50, $0x38;
	[tilespmem:$0xB540] =	vst v63  }
0xe6: {  	_ =	swait.ge [sflag:s16], $0x50  }
0xe7: {  	[sflag:s16] =	ssyncset.done $0x0  }
0xe8: {  	s9 =	sadd.s32 s9, s14;
	[sflag:s16] =	ssyncadd.s32 $0xFFFFFFB0  }
0xe9: {  	[tilespmem:s19], [sflag:$0x5] =	stream.linear.gather [hbm4b:s9+s4], $0x50, $0x38;
	[tilespmem:$0xB540] =	vst v63  }
0xea: {  	_ =	swait.ge [sflag:s16], $0x50  }
0xeb: {  	[sflag:s16] =	ssyncset.done $0x0  }
0xec: {  	[sflag:s16] =	ssyncadd.s32 $0xFFFFFFB0  }
0xed: {  	[tilespmem:s20], [sflag:$0x1] =	stream.indirect.gather [hbm4b:s1+s18], $0x80, s4, s18, $0xb8;
	[tilespmem:$0xB540] =	vst v63  }
0xee: {  	_ = 	snop  }
0xef: {  	[tilespmem:s21], [sflag:$0x1] =	stream.indirect.gather [hbm4b:s1+s18], $0x80, s17, s18, $0xb8;
	[tilespmem:$0xB540] =	vst v63  }
0xf0: {  	_ = 	snop  }
0xf1: {  	[tilespmem:s22], [sflag:$0x1] =	stream.indirect.gather [hbm4b:s5+s18], $0x10, s4, s18, $0xb8;
	[tilespmem:$0xB540] =	vst v63  }
0xf2: {  	_ = 	snop  }
0xf3: {  	[tilespmem:s23], [sflag:$0x1] =	stream.indirect.gather [hbm4b:s5+s18], $0x10, s17, s18, $0xb8;
	[tilespmem:$0xB540] =	vst v63  }
0xf4: {  	_ = 	snop  }
0xf5: {  	[tilespmem:s24], [sflag:$0x2] =	stream.indirect.gather [hbm4b:s1+s18], $0x80, s18, s18, $0xb8;
	[tilespmem:$0xB540] =	vst v63  }
0xf6: {  	_ = 	snop  }
0xf7: {  	[tilespmem:s25], [sflag:$0x2] =	stream.indirect.gather [hbm4b:s1+s18], $0x80, s19, s18, $0xb8;
	[tilespmem:$0xB540] =	vst v63  }
0xf8: {  	_ = 	snop  }
0xf9: {  	[tilespmem:s26], [sflag:$0x2] =	stream.indirect.gather [hbm4b:s5+s18], $0x10, s18, s18, $0xb8;
	[tilespmem:$0xB540] =	vst v63  }
0xfa: {  	_ = 	snop  }
0xfb: {  	[tilespmem:s28], [sflag:$0x2] =	stream.indirect.gather [hbm4b:s5+s18], $0x10, s19, s18, $0xb8;
	[tilespmem:$0xB540] =	vst v63  }
0xfc: {  	_ =	swait.ge [sflag:s29], $0x2800  }
0xfd: {  	[sflag:s29] =	ssyncset.done $0x0  }
0xfe: {  	[sflag:s29] =	ssyncadd.s32 $0xFFFFD800  }
0xff: {  	_ =	swait.ge [sflag:s29], $0x2800  }
0x100: {  	[sflag:s29] =	ssyncset.done $0x0  }
0x101: {  	[sflag:s29] =	ssyncadd.s32 $0xFFFFD800  }
0x102: {  	_ =	swait.ge [sflag:s29], $0x500  }
0x103: {  	[sflag:s29] =	ssyncset.done $0x0  }
0x104: {  	[sflag:s29] =	ssyncadd.s32 $0xFFFFFB00  }
0x105: {  	_ =	swait.ge [sflag:s29], $0x500  }
0x106: {  	s6 =	sadd.s32 $0xA00, s8;
	s10 =	rddreg [dreg:$0xb];
	[sflag:s29] =	ssyncset.done $0x0  }
0x107: {  	s11 =	rddreg [dreg:$0xa];
	[sflag:s29] =	ssyncadd.s32 $0xFFFFFB00;
	s3 =	sadd.s32 s6, s10  }
0x108: {  	[hbm4b:s3+s4] =	stream.linear.scatter [tilespmem:s20], [sflag:$0x3], $0x2800, $0x38;
	[tilespmem:$0xB540] =	vst v63  }
0x109: {  	s12 =	rddreg [dreg:$0x9];
	s8 =	sadd.s32 s6, s11  }
0x10a: {  	[hbm4b:s8+s4] =	stream.linear.scatter [tilespmem:s21], [sflag:$0x3], $0x2800, $0x38;
	[tilespmem:$0xB540] =	vst v63  }
0x10b: {  	s13 =	rddreg [dreg:$0x8];
	s3 =	sadd.s32 s7, s12  }
0x10c: {  	[hbm4b:s3+s4] =	stream.linear.scatter [tilespmem:s22], [sflag:$0x3], $0x500, $0x38;
	[tilespmem:$0xB540] =	vst v63  }
0x10d: {  	s8 =	sadd.s32 s7, s13  }
0x10e: {  	[hbm4b:s8+s4] =	stream.linear.scatter [tilespmem:s23], [sflag:$0x3], $0x500, $0x38;
	[tilespmem:$0xB540] =	vst v63  }
0x10f: {  	_ =	swait.ge [sflag:s30], $0x2800  }
0x110: {  	[sflag:s30] =	ssyncset.done $0x0  }
0x111: {  	[sflag:s30] =	ssyncadd.s32 $0xFFFFD800  }
0x112: {  	_ =	swait.ge [sflag:s30], $0x2800  }
0x113: {  	[sflag:s30] =	ssyncset.done $0x0  }
0x114: {  	[sflag:s30] =	ssyncadd.s32 $0xFFFFD800  }
0x115: {  	_ =	swait.ge [sflag:s30], $0x500  }
0x116: {  	[sflag:s30] =	ssyncset.done $0x0  }
0x117: {  	[sflag:s30] =	ssyncadd.s32 $0xFFFFFB00  }
0x118: {  	_ =	swait.ge [sflag:s30], $0x500  }
0x119: {  	s9 =	rddreg [dreg:$0x6];
	[sflag:s30] =	ssyncset.done $0x0  }
0x11a: {  	s10 =	rddreg [dreg:$0x7];
	[sflag:s30] =	ssyncadd.s32 $0xFFFFFB00;
	s3 =	sadd.s32 s6, s9  }
0x11b: {  	[hbm4b:s3+s4] =	stream.linear.scatter [tilespmem:s24], [sflag:$0x4], $0x2800, $0x38;
	[tilespmem:$0xB540] =	vst v63  }
0x11c: {  	s12 =	rddreg [dreg:$0x4];
	s11 =	sadd.s32 s6, s10  }
0x11d: {  	[hbm4b:s11+s4] =	stream.linear.scatter [tilespmem:s25], [sflag:$0x4], $0x2800, $0x38;
	[tilespmem:$0xB540] =	vst v63  }
0x11e: {  	s13 =	rddreg [dreg:$0x5];
	s6 =	sadd.s32 s7, s12  }
0x11f: {  	[hbm4b:s6+s4] =	stream.linear.scatter [tilespmem:s26], [sflag:$0x4], $0x500, $0x38;
	[tilespmem:$0xB540] =	vst v63  }
0x120: {  	s3 =	sadd.s32 s7, s13  }
0x121: {  	[hbm4b:s3+s4] =	stream.linear.scatter [tilespmem:s28], [sflag:$0x4], $0x500, $0x38;
	[tilespmem:$0xB540] =	vst v63  }
0x122: {  	_ =	swait.ge [sflag:s31], $0x2800  }
0x123: {  	[sflag:s31] =	ssyncset.done $0x0  }
0x124: {  	[sflag:s31] =	ssyncadd.s32 $0xFFFFD800  }
0x125: {  	_ =	swait.ge [sflag:s31], $0x2800  }
0x126: {  	[sflag:s31] =	ssyncset.done $0x0  }
0x127: {  	[sflag:s31] =	ssyncadd.s32 $0xFFFFD800  }
0x128: {  	_ =	swait.ge [sflag:s31], $0x500  }
0x129: {  	[sflag:s31] =	ssyncset.done $0x0  }
0x12a: {  	[sflag:s31] =	ssyncadd.s32 $0xFFFFFB00  }
0x12b: {  	_ =	swait.ge [sflag:s31], $0x500  }
0x12c: {  	[sflag:s31] =	ssyncset.done $0x0  }
0x12d: {  	[sflag:s31] =	ssyncadd.s32 $0xFFFFFB00  }
0x12e: {  	_ =	swait.ge [sflag:s0], $0x2800  }
0x12f: {  	[sflag:s0] =	ssyncset.done $0x0  }
0x130: {  	[sflag:s0] =	ssyncadd.s32 $0xFFFFD800  }
0x131: {  	_ =	swait.ge [sflag:s0], $0x2800  }
0x132: {  	[sflag:s0] =	ssyncset.done $0x0  }
0x133: {  	[sflag:s0] =	ssyncadd.s32 $0xFFFFD800  }
0x134: {  	_ =	swait.ge [sflag:s0], $0x500  }
0x135: {  	[sflag:s0] =	ssyncset.done $0x0  }
0x136: {  	[sflag:s0] =	ssyncadd.s32 $0xFFFFFB00  }
0x137: {  	_ =	swait.ge [sflag:s0], $0x500  }
0x138: {  	[sflag:s0] =	ssyncset.done $0x0  }
0x139: {  	s7 =	rddreg [dreg:$0xd];
	[sflag:s0] =	ssyncadd.s32 $0xFFFFFB00  }
0x13a: {  	[tilespmem:s4], [sflag:$0x5] =	stream.linear.gather [hbm4b:s7+s4], $0x50, $0x38;
	[tilespmem:$0xB540] =	vst v63  }
0x13b: {  	_ =	swait.ge [sflag:s16], $0x50  }
0x13c: {  	[sflag:s16] =	ssyncset.done $0x0  }
0x13d: {  	s8 =	rddreg [dreg:$0xe];
	[sflag:s16] =	ssyncadd.s32 $0xFFFFFFB0  }
0x13e: {  	[tilespmem:s17], [sflag:$0x5] =	stream.linear.gather [hbm4b:s8+s4], $0x50, $0x38;
	[tilespmem:$0xB540] =	vst v63  }
0x13f: {  	_ =	swait.ge [sflag:s16], $0x50  }
0x140: {  	[sflag:s16] =	ssyncset.done $0x0  }
0x141: {  	[sflag:s16] =	ssyncadd.s32 $0xFFFFFFB0  }
0x142: {  	[tilespmem:s20], [sflag:$0x1] =	stream.indirect.gather [hbm4b:s1+s18], $0x80, s4, s18, $0xb8;
	[tilespmem:$0xB540] =	vst v63  }
0x143: {  	_ = 	snop  }
0x144: {  	[tilespmem:s21], [sflag:$0x1] =	stream.indirect.gather [hbm4b:s1+s18], $0x80, s17, s18, $0xb8;
	[tilespmem:$0xB540] =	vst v63  }
0x145: {  	_ = 	snop  }
0x146: {  	[tilespmem:s22], [sflag:$0x1] =	stream.indirect.gather [hbm4b:s5+s18], $0x10, s4, s18, $0xb8;
	[tilespmem:$0xB540] =	vst v63  }
0x147: {  	_ = 	snop  }
0x148: {  	[tilespmem:s23], [sflag:$0x1] =	stream.indirect.gather [hbm4b:s5+s18], $0x10, s17, s18, $0xb8;
	[tilespmem:$0xB540] =	vst v63  }
0x149: {  	_ =	swait.ge [sflag:s29], $0x2800  }
0x14a: {  	[sflag:s29] =	ssyncset.done $0x0  }
0x14b: {  	[sflag:s29] =	ssyncadd.s32 $0xFFFFD800  }
0x14c: {  	_ =	swait.ge [sflag:s29], $0x2800  }
0x14d: {  	[sflag:s29] =	ssyncset.done $0x0  }
0x14e: {  	[sflag:s29] =	ssyncadd.s32 $0xFFFFD800  }
0x14f: {  	_ =	swait.ge [sflag:s29], $0x500  }
0x150: {  	[sflag:s29] =	ssyncset.done $0x0  }
0x151: {  	[sflag:s29] =	ssyncadd.s32 $0xFFFFFB00  }
0x152: {  	_ =	swait.ge [sflag:s29], $0x500  }
0x153: {  	[sflag:s29] =	ssyncset.done $0x0  }
0x154: {  	s9 =	rddreg [dreg:$0xf];
	[sflag:s29] =	ssyncadd.s32 $0xFFFFFB00  }
0x155: {  	[hbm4b:s9+s4] =	stream.linear.scatter [tilespmem:s20], [sflag:$0x3], $0x2800, $0x38;
	[tilespmem:$0xB540] =	vst v63  }
0x156: {  	s10 =	rddreg [dreg:$0x10]  }
0x157: {  	[hbm4b:s10+s4] =	stream.linear.scatter [tilespmem:s21], [sflag:$0x3], $0x2800, $0x38;
	[tilespmem:$0xB540] =	vst v63  }
0x158: {  	s11 =	rddreg [dreg:$0x11]  }
0x159: {  	[hbm4b:s11+s4] =	stream.linear.scatter [tilespmem:s22], [sflag:$0x3], $0x500, $0x38;
	[tilespmem:$0xB540] =	vst v63  }
0x15a: {  	s12 =	rddreg [dreg:$0x12]  }
0x15b: {  	[hbm4b:s12+s4] =	stream.linear.scatter [tilespmem:s23], [sflag:$0x3], $0x500, $0x38;
	[tilespmem:$0xB540] =	vst v63  }
0x15c: {  	_ =	swait.ge [sflag:s31], $0x2800  }
0x15d: {  	[sflag:s31] =	ssyncset.done $0x0  }
0x15e: {  	[sflag:s31] =	ssyncadd.s32 $0xFFFFD800  }
0x15f: {  	_ =	swait.ge [sflag:s31], $0x2800  }
0x160: {  	[sflag:s31] =	ssyncset.done $0x0  }
0x161: {  	[sflag:s31] =	ssyncadd.s32 $0xFFFFD800  }
0x162: {  	_ =	swait.ge [sflag:s31], $0x500  }
0x163: {  	[sflag:s31] =	ssyncset.done $0x0  }
0x164: {  	[sflag:s31] =	ssyncadd.s32 $0xFFFFFB00  }
0x165: {  	_ =	swait.ge [sflag:s31], $0x500  }
0x166: {  	s2 =	sadd.s32 $0x1, s2;
	s13 =	rddreg [dreg:$0x13]  }
0x167: {  	p0 =	sne.s32 s2, s13  }
.Ltmp1:
0x168: {  	_ = 	snop;
	(pc) =	sbr.rel @p0 .LBB2_1-.Ltmp1, $3  }
0x169: {  	_ =	sdelay $0x1  }
0x16a: {  	[sflag:s31] =	ssyncset.done $0x0  }
0x16b: {  	[sflag:s31] =	ssyncadd.s32 $0xFFFFFB00  }
0x16c: {  	_ =	sfence.sel $0x180000  }
0x16d: {  	[bflag:$0x0] =	sbarrier.arrive $0xFFFF  }
0x16e: {  	_ =	strace $0x90000047  }
0x16f: {  	s0 =	stileid.u32;
	[bflag:$0x2] =	sbarrier.arrive $0xFFFF  }
0x170: {  	p0 =	sne.s32 s0, $0x0;
	s0 =	rddreg [dreg:$0x3]  }
0x171: {  	s0 =	sadd.s32 @!p0 $0x100000, s0  }
0x172: {  	[sflag:s0] =	ssyncadd.tile.s32 @!p0 $0x1;
	_ =	shalt  }
.Lfunc_end2:
_tile_overlayer_lowered:
.L_overlay_start_2:
0x173: {  	(tag) =	ssettag $0x2  }
0x174: {  	s0 =	rddreg [dreg:$0x0];
	s2 =	stileid.u32  }
0x175: {  	s1 =	rddreg [dreg:$0x1];
	p0 =	sne.s32 s2, $0x0  }
0x176: {  	s3 =	rddreg [dreg:$0x2];
	[bflag:$0x3] =	sbarrier.arrive $0xFFFF;
	s2 =	simm.s32 @!p0 $0x1C05  }
0x177: {  	[timem:s3], [sflag:s2] =	dma.local @!p0 [hbm:s0], s1  }
0x178: {  	s0 =	simm.s32 @!p0 $0x5  }
0x179: {  	_ =	swait.ge @!p0 [sflag:s0], s1  }
0x17a: {  	s1 =	ssub.s32 @!p0 $0x0, s1;
	[sflag:s0] =	ssyncset.done @!p0 $0x0  }
0x17b: {  	[sflag:s0] =	ssyncadd.s32 @!p0 s1  }
0x17c: {  	[bflag:$0x3] =	sbarrier.arrive $0xFFFF  }
0x17d: {  	_ =	shalt  }

// kernel: kernel.9.cloned.1.call-start
scs
__scs_entry_jumppad:
0x0: {  	(pc) =	sbr.rel $0x88, $3  }
0x1: {  	(tag) =	ssettag $0x0;
	lr =	simm.s32 $0x1  }
0x2: {  	[smem:$0x3F8F] =	sst lr;
	_ =	strace $0xD0000000  }
0x3: {  	_ = 	snop  }
0x4: {  	_ = 	snop  }
0x5: {  	_ = 	snop  }
0x6: {  	_ = 	snop  }
0x7: {  	_ = 	snop  }
__scs_overlays_trampoline_lowered:
0x8: {  	[smem:$0x3F9E] =	sst s0  }
0x9: {  	[smem:$0x3F9F] =	sst s1  }
0xa: {  	[smem:$0x3FA0] =	sst s2  }
0xb: {  	[smem:$0x3FA1] =	sst s3  }
0xc: {  	[smem:$0x3FA2] =	sst s4  }
0xd: {  	[smem:$0x3FA3] =	sst s5  }
0xe: {  	[smem:$0x3FA4] =	sst s6  }
0xf: {  	[smem:$0x3FA5] =	sst s7  }
0x10: {  	[smem:$0x3FA6] =	sst s8  }
0x11: {  	[smem:$0x3FA7] =	sst s9;
	s0 =	simm.s32 @!p0 $0x0  }
0x12: {  	s1 =	sld [smem:$0x3F8D];
	s0 =	simm.s32 @p0 $0x1  }
0x13: {  	[smem:$0x3FA8] =	sst s0;
	s0 =	simm.s32 @!p1 $0x0  }
0x14: {  	s2 =	sld [smem:$0x3F8C];
	s0 =	simm.s32 @p1 $0x1  }
0x15: {  	[smem:$0x3FA9] =	sst s0;
	s0 =	simm.s32 @!p2 $0x0  }
0x16: {  	s3 =	sld [smem:$0x3FDB];
	s0 =	simm.s32 @p2 $0x1  }
0x17: {  	s4 =	simm.s32 $0x1BF5;
	[smem:$0x3FAB] =	sst s0  }
0x18: {  	s0 =	sld [smem:$0x3F8E];
	_ =	swait.ge [sflag:s4], $0x0  }
0x19: {  	s7 =	sld [smem:$0x3F8F]  }
0x1a: {  	s8 =	sadd.s32 $0xFFFFE003, lr  }
0x1b: {  	s9 =	sadd.s32 $0xFFFFFEF7, lr;
	s5 =	simm.s32 $0xFFFFFFFF;
	p2 =	slt.u32 s8, $0xFFFFF086  }
0x1c: {  	p1 =	slt.u32 s9, $0xF7A;
	s5 =	simm.s32 @!p2 $0x0  }
0x1d: {  	s5 =	simm.s32 @p1 $0x1;
	p0 =	seq.s32 s7, s2  }
0x1e: {  	s7 =	smul.u32 @!p0 $0xF7A, s2;
	p2 =	seq.s32 @!p0 s5, $0x0  }
0x1f: {  	s9 =	smul.u32 $0xF7A, s1;
	s8 =	simm.s32 @!p0 $0x1BF5;
	p2 =	por !p2, p0  }
0x20: {  	[sflag:s8] =	ssyncset.s32 @!p0 $0xFFFFF086;
	s6 =	sadd.s32 @!p0 s3, s7;
	s7 =	simm.s32 @!p0 $0x108  }
0x21: {  	s3 =	sadd.s32 s3, s9;
	s6 =	sadd.s32 @!p0 $0x88, s6;
	s7 =	simm.s32 @p2 $0x1082  }
0x22: {  	[simem:s7], [sflag:s8] =	dma.local @!p0 [hbm:s6], $0xF7A  }
0x23: {  	s9 =	sor.u32 $0xD0000000, s2;
	s6 =	simm.s32 $0x108;
	_ =	swait.ge @!p0 [sflag:s8], $0x0  }
0x24: {  	s3 =	sadd.s32 $0x88, s3;
	s6 =	simm.s32 @!p1 $0x1082;
	[sflag:s4] =	ssyncset.s32 $0xFFFFF086  }
0x25: {  	[simem:s6], [sflag:s4] =	dma.local [hbm:s3], $0xF7A  }
0x26: {  	[smem:$0x3F8F] =	sst s1;
	(tag) =	ssettag s2;
	_ =	strace s9  }
0x27: {  	s1 =	sld [smem:$0x3F9F]  }
0x28: {  	s2 =	sld [smem:$0x3FA0]  }
0x29: {  	s4 =	sld [smem:$0x3FA2]  }
0x2a: {  	p0 =	seq.s32 s5, $0x0;
	s5 =	sld [smem:$0x3FA3]  }
0x2b: {  	s6 =	sld [smem:$0x3FA4]  }
0x2c: {  	s7 =	sld [smem:$0x3FA5]  }
0x2d: {  	s3 =	simm.s32 $0x108;
	s8 =	sld [smem:$0x3FA6]  }
0x2e: {  	s3 =	simm.s32 @!p0 $0x1082;
	s9 =	sld [smem:$0x3FA7]  }
0x2f: {  	lr =	sadd.s32 s0, s3;
	s0 =	sld [smem:$0x3F9E]  }
0x30: {  	s3 =	sld [smem:$0x3FA1]  }
0x31: {  	[smem:$0x3FAA] =	sst s10  }
0x32: {  	s10 =	sld [smem:$0x3FA8];
	_ =	sdelay $0x3  }
0x33: {  	p0 =	seq.s32 s10, $0x1;
	s10 =	sld [smem:$0x3FAA];
	_ =	sdelay $0x3  }
0x34: {  	[smem:$0x3FAA] =	sst s10  }
0x35: {  	s10 =	sld [smem:$0x3FA9];
	_ =	sdelay $0x3  }
0x36: {  	p1 =	seq.s32 s10, $0x1;
	s10 =	sld [smem:$0x3FAA];
	_ =	sdelay $0x3  }
0x37: {  	[smem:$0x3FAA] =	sst s10  }
0x38: {  	s10 =	sld [smem:$0x3FAB]  }
0x39: {  	_ = 	snop;
	(pc) =	sbr.ind lr, $3  }
0x3a: {  	_ = 	snop  }
0x3b: {  	_ = 	snop  }
0x3c: {  	p2 =	seq.s32 s10, $0x1;
	s10 =	sld [smem:$0x3FAA]  }
0x3d: {  	_ =	shalt  }
0x3e: {  	_ =	shalt  }
0x3f: {  	_ =	shalt  }
0x40: {  	_ =	shalt  }
0x41: {  	_ =	shalt  }
0x42: {  	_ =	shalt  }
0x43: {  	_ =	shalt  }
0x44: {  	_ =	shalt  }
0x45: {  	_ =	shalt  }
0x46: {  	_ =	shalt  }
0x47: {  	_ =	shalt  }
0x48: {  	_ =	shalt  }
0x49: {  	_ =	shalt  }
0x4a: {  	_ =	shalt  }
0x4b: {  	_ =	shalt  }
0x4c: {  	_ =	shalt  }
0x4d: {  	_ =	shalt  }
0x4e: {  	_ =	shalt  }
0x4f: {  	_ =	shalt  }
0x50: {  	_ =	shalt  }
0x51: {  	_ =	shalt  }
0x52: {  	_ =	shalt  }
0x53: {  	_ =	shalt  }
0x54: {  	_ =	shalt  }
0x55: {  	_ =	shalt  }
0x56: {  	_ =	shalt  }
0x57: {  	_ =	shalt  }
0x58: {  	_ =	shalt  }
0x59: {  	_ =	shalt  }
0x5a: {  	_ =	shalt  }
0x5b: {  	_ =	shalt  }
0x5c: {  	_ =	shalt  }
0x5d: {  	_ =	shalt  }
0x5e: {  	_ =	shalt  }
0x5f: {  	_ =	shalt  }
0x60: {  	_ =	shalt  }
0x61: {  	_ =	shalt  }
0x62: {  	_ =	shalt  }
0x63: {  	_ =	shalt  }
0x64: {  	_ =	shalt  }
0x65: {  	_ =	shalt  }
0x66: {  	_ =	shalt  }
0x67: {  	_ =	shalt  }
0x68: {  	_ =	shalt  }
0x69: {  	_ =	shalt  }
0x6a: {  	_ =	shalt  }
0x6b: {  	_ =	shalt  }
0x6c: {  	_ =	shalt  }
0x6d: {  	_ =	shalt  }
0x6e: {  	_ =	shalt  }
0x6f: {  	_ =	shalt  }
0x70: {  	_ =	shalt  }
0x71: {  	_ =	shalt  }
0x72: {  	_ =	shalt  }
0x73: {  	_ =	shalt  }
0x74: {  	_ =	shalt  }
0x75: {  	_ =	shalt  }
0x76: {  	_ =	shalt  }
0x77: {  	_ =	shalt  }
0x78: {  	_ =	shalt  }
0x79: {  	_ =	shalt  }
0x7a: {  	_ =	shalt  }
0x7b: {  	_ =	shalt  }
0x7c: {  	_ =	shalt  }
0x7d: {  	_ =	shalt  }
0x7e: {  	_ =	shalt  }
0x7f: {  	_ =	shalt  }
0x80: {  	_ =	shalt  }
0x81: {  	_ =	shalt  }
0x82: {  	_ =	shalt  }
0x83: {  	_ =	shalt  }
0x84: {  	_ =	shalt  }
0x85: {  	_ =	shalt  }
0x86: {  	_ =	shalt  }
0x87: {  	_ =	shalt  }
.Lfunc_end0:
.L_simem_size_0:
called_computation.1_lowered:
.L_overlay_start_0:
0x88: {  	s2 =	sld [smem:$0x3FD9]  }
0x89: {  	s3 =	sld [smem:$0x3FFE];
	_ =	sdelay $0x1  }
0x8a: {  	s1 =	srdreg.scid  }
0x8b: {  	s0 =	sand.u32 $0x1, s1  }
0x8c: {  	s17 =	sshll.u32 s0, $0xA;
	s2 =	sadd.s32 s3, s2  }
0x8d: {  	s2 =	sadd.s32 s2, s17  }
0x8e: {  	[smem:$0x3FB6] =	sst s2  }
0x8f: {  	_ = 	snop  }
0x90: {  	s2 =	sld [smem:$0x3FD0];
	(tm) =	ssettm $0x1  }
0x91: {  	s18 =	sld [smem:$0x3FFB];
	_ =	sdelay $0x3  }
0x92: {  	_ =	strace s18  }
0x93: {  	s3 =	sld [smem:$0x3FFC];
	_ =	sdelay $0x3  }
0x94: {  	_ =	strace s3  }
0x95: {  	s3 =	sld [smem:$0x3FFD];
	_ =	sdelay $0x3  }
0x96: {  	_ =	strace s3  }
0x97: {  	_ =	strace $0x8FFFFFFF  }
0x98: {  	s19 =	sld [smem:$0x3FDB];
	_ =	sdelay $0x1  }
0x99: {  	s4 =	simm.s32 $_scs_section_size  }
0x9a: {  	s5 =	simm.s32 $_size__tile_overlayer_lowered;
	s6 =	simm.s32 $_tile_overlayer_lowered  }
0x9b: {  	s22 =	simm.s32 $0x1BFF;
	s21 =	sshll.u32 s6, $0x1;
	s3 =	sadd.s32 s4, s19  }
0x9c: {  	s7 =	simm.s32 $0x0;
	s20 =	sshll.u32 s5, $0x1;
	s5 =	sadd.s32 s21, s3  }
0x9d: {  	[timem:s7], [sflag:s22] =	dma.local [hbm:s5], s20  }
0x9e: {  	_ =	swait.ge [sflag:s22], s20  }
0x9f: {  	s4 =	ssub.s32 $0x0, s20;
	[sflag:s22] =	ssyncset.done $0x0  }
0xa0: {  	[sflag:s22] =	ssyncadd.s32 s4;
	_ =	sdelay $0x1  }
0xa1: {  	s23 =	simm.s32 $0x1B8B  }
0xa2: {  	_ =	swait.ge [sflag:s23], $0x1  }
0xa3: {  	[sflag:s23] =	ssyncset.done $0x0  }
0xa4: {  	s25 =	simm.s32 $0x1B8E;
	s24 =	sld [smem:$0x3FFE];
	[sflag:s23] =	ssyncadd.s32 $0xFFFFFFFF  }
0xa5: {  	s26 =	simm.s32 $execute0_lowered;
	[smem:$0x3FD2] =	sst s25  }
0xa6: {  	s5 =	sshll.u32 s26, $0x1;
	_ =	strace $0x80000049;
	[dreg:$0x1] =	wrdreg $0xFFFFFFFF  }
0xa7: {  	s28 =	simm.s32 $_size_execute0_lowered;
	s3 =	sadd.s32 s3, s5;
	[dreg:$0x0] =	wrdreg $0x0  }
0xa8: {  	s5 =	sshll.u32 s28, $0x1;
	[dreg:$0x2] =	wrdreg s3  }
0xa9: {  	[dreg:$0x3] =	wrdreg s5  }
0xaa: {  	[dreg:$0x4] =	wrdreg $0xC0  }
0xab: {  	_ =	task [dreg:s7], $0x5FFFF  }
0xac: {  	[dreg:$0x1] =	wrdreg $0xFFFFFFFF  }
0xad: {  	[dreg:$0x0] =	wrdreg $0x60  }
0xae: {  	[dreg:$0x2] =	wrdreg s24  }
0xaf: {  	[dreg:$0x3] =	wrdreg s2  }
0xb0: {  	[dreg:$0x4] =	wrdreg $0x28A00  }
0xb1: {  	[dreg:$0x5] =	wrdreg $0x9  }
0xb2: {  	_ =	task.clear_ibuf [dreg:s7], $0x6FFFF;
	_ =	strace $0x90000049  }
0xb3: {  	s29 =	simm.s32 $0x9;
	_ =	strace $0x8000004B  }
0xb4: {  	_ =	swait.ge [sflag:s29], $0x1  }
0xb5: {  	[sflag:s29] =	ssyncadd.s32 $0xFFFFFFFF  }
0xb6: {  	_ =	strace $0x9000004B  }
0xb7: {  	_ =	sfence  }
0xb8: {  	s30 =	sld [smem:$0x0];
	_ =	sdelay $0x2  }
0xb9: {  	s31 =	sshll.u32 s1, $0xD;
	s1 =	sshrl.u32 s1, $0x2  }
0xba: {  	s3 =	sand.u32 $0x4000, s31;
	s1 =	sadd.s32 s1, s30  }
0xbb: {  	s0 =	sor.u32 s3, s0;
	s1 =	sshll.u32 s1, $0x11  }
0xbc: {  	s0 =	sor.u32 s1, s0  }
0xbd: {  	s0 =	sadd.s32 $0x8F2B, s0  }
0xbe: {  	[sflag:s0] =	ssyncadd.remote.s32 $0x1  }
0xbf: {  	_ =	sfence.sel $0xFFFF  }
0xc0: {  	[dreg:$0x0] =	wrdreg $0xFFFFFFFF;
	(pc) =	sbr.abs _section_cstart, $3  }
0xc1: {  	[dreg:$0x1] =	wrdreg $0xFFFFFFFF  }
0xc2: {  	_ =	task.clear_ibuf [dreg:s7], $0x2FFFF;
	_ =	strace $0x9FFFFFFF  }
0xc3: {  	(tm) =	ssettm $0x7FFFFFFF  }
tec
execute0_lowered:
.L_overlay_start_1:
0x0: {  	(tag) =	ssettag $0x1  }
0x1: {  	s4 =	rddreg [dreg:$0x0]  }
0x2: {  	s1 =	rddreg [dreg:$0x1]  }
0x3: {  	s2 =	rddreg [dreg:$0x2]  }
0x4: {  	s0 =	rddreg [dreg:$0x3]  }
0x5: {  	s3 =	simm.s32 $0x0;
	s5 =	srdreg.scid;
	s11 =	stileid.u32  }
0x6: {  	s17 =	simm.s32 $0x3;
	s18 =	simm.s32 $0x2;
	s19 =	simm.s32 $0x0  }
0x7: {  	[smem:$0x7FF] =	sst s3;
	s5 =	sand.u32 $0x1, s5;
	s8 =	smul.u32 $0x4E20, s11  }
0x8: {  	s6 =	sshll.u32 s11, $0x1;
	s12 =	sadd.s32 $0xD200, s4;
	s15 =	smul.u32 $0x27100, s11  }
0x9: {  	s13 =	sadd.s32 $0x3400, s4;
	p0 =	sne.s32 s11, $0x0;
	s10 =	smul.u32 $0x13880, s5  }
0xa: {  	s6 =	sor.u32 s5, s6;
	s26 =	ssub.s32 $0x2, s5;
	s14 =	smul.u32 $0x2710, s5  }
0xb: {  	_ =	strace $0x8000004A;
	s6 =	smul.u32 $0x2710, s6;
	s9 =	sshrl.u32 s26, $0x1  }
0xc: {  	s7 =	sadd.s32 s10, s4;
	s9 =	ssub.s32 s26, s9;
	s14 =	sadd.s32 s14, s8  }
0xd: {  	s6 =	sadd.s32 $0x26C0, s6;
	s8 =	sadd.s32 $0x50, s14;
	s31 =	sshrl.u32 s14, $0x3  }
0xe: {  	s14 =	simm.s32 $0x50;
	s28 =	sshrl.u32 s6, $0x3;
	s29 =	sshll.u32 s6, $0x3  }
0xf: {  	s6 =	sadd.s32 $0x27E200, s7;
	s7 =	smax.u32 s9, $0x1;
	s30 =	sshll.u32 s8, $0x3  }
0x10: {  	s16 =	sshrl.u32 s8, $0x3;
	s11 =	sadd.s32 s31, s13;
	s4 =	sadd.s32 s13, s28  }
0x11: {  	s5 =	sadd.s32 s12, s29;
	s8 =	sadd.s32 s30, s12;
	s9 =	sadd.s32 s16, s13  }
0x12: {  	s12 =	sadd.s32 s15, s12;
	s13 =	simm.s32 $0xA0;
	s15 =	simm.s32 $0x14A0  }
0x13: {  	s16 =	simm.s32 $0x1;
	s10 =	sadd.s32 s10, s12;
	s12 =	sshrl.u32 @!p0 s2, $0x3  }
.LBB2_1:
0x14: {  	s20 =	simm.s32 @!p0 $0x1C03  }
0x15: {  	[spmem:s12], [sflag:s20] =	dma.local @!p0 [hbm:s1], $0x13880  }
0x16: {  	s20 =	simm.s32 @!p0 $0x3  }
0x17: {  	_ =	swait.ge @!p0 [sflag:s20], $0x13880  }
0x18: {  	[sflag:s20] =	ssyncset.done @!p0 $0x0  }
0x19: {  	[sflag:s20] =	ssyncadd.s32 @!p0 $0xFFFEC780  }
0x1a: {  	s30 =	sadd.s32 $0x0, s11;
	[bflag:$0x0] =	sbarrier.arrive $0xFFFF  }
0x1b: {  	[tilespmem:s3], [sflag:$0x1] =	stream.linear.gather [hbm4b:s30+s3], $0x50, $0x38;
	[tilespmem:$0xC4E0] =	vst v63  }
0x1c: {  	_ = 	snop  }
0x1d: {  	[tilespmem:s13], [sflag:$0x1] =	stream.linear.gather [hbm4b:s10+s3], $0x1400, $0x38;
	[tilespmem:$0xC4E0] =	vst v63  }
0x1e: {  	s31 =	sadd.s32 $0x0, s9  }
0x1f: {  	[tilespmem:s14], [sflag:$0x2] =	stream.linear.gather [hbm4b:s31+s3], $0x50, $0x38;
	[tilespmem:$0xC4E0] =	vst v63  }
0x20: {  	_ = 	snop  }
0x21: {  	[tilespmem:s15], [sflag:$0x2] =	stream.linear.gather [hbm4b:s8+s3], $0x1400, $0x38;
	[tilespmem:$0xC4E0] =	vst v63  }
0x22: {  	_ =	swait.ge [sflag:s16], $0x50  }
0x23: {  	[sflag:s16] =	ssyncset.done $0x0  }
0x24: {  	[sflag:s16] =	ssyncadd.s32 $0xFFFFFFB0  }
0x25: {  	_ =	swait.ge [sflag:s16], $0x1400  }
0x26: {  	[sflag:s16] =	ssyncset.done $0x0  }
0x27: {  	[sflag:s16] =	ssyncadd.s32 $0xFFFFEC00  }
0x28: {  	[spmem:s2] =	stream.indirect.scatter.add.f32 [tilespmem:s13], [sflag:$0x3], $0x40, s3, s14, $0xb8;
	[tilespmem:$0xC4E0] =	vst v63  }
0x29: {  	_ =	swait.ge [sflag:s17], $0x1400  }
0x2a: {  	[sflag:s17] =	ssyncset.done $0x0  }
0x2b: {  	[sflag:s17] =	ssyncadd.s32 $0xFFFFEC00  }
0x2c: {  	_ =	swait.ge [sflag:s18], $0x50  }
0x2d: {  	[sflag:s18] =	ssyncset.done $0x0  }
0x2e: {  	[sflag:s18] =	ssyncadd.s32 $0xFFFFFFB0  }
0x2f: {  	_ =	swait.ge [sflag:s18], $0x1400  }
0x30: {  	[sflag:s18] =	ssyncset.done $0x0  }
0x31: {  	[sflag:s18] =	ssyncadd.s32 $0xFFFFEC00  }
0x32: {  	[spmem:s2] =	stream.indirect.scatter.add.f32 [tilespmem:s15], [sflag:$0x3], $0x40, s14, s14, $0xb8;
	[tilespmem:$0xC4E0] =	vst v63  }
0x33: {  	s23 =	simm.s32 $0x28;
	s21 =	sadd.s32 $0x500, s8;
	_ =	swait.ge [sflag:s17], $0x1400  }
0x34: {  	s22 =	sadd.s32 $0x500, s10;
	s20 =	simm.s32 $0x14;
	[sflag:s17] =	ssyncset.done $0x0  }
.LBB2_2:
0x35: {  	s24 =	sadd.s32 s20, s11  }
0x36: {  	[sflag:s17] =	ssyncadd.s32 $0xFFFFEC00;
	s25 =	smov.u32 s23;
	s26 =	sadd.s32 $0x14, s23  }
0x37: {  	[tilespmem:s3], [sflag:$0x1] =	stream.linear.gather [hbm4b:s24+s3], $0x50, $0x38;
	[tilespmem:$0xC4E0] =	vst v63  }
0x38: {  	p1 =	sne.s32 s23, $0x4C4  }
0x39: {  	[tilespmem:s13], [sflag:$0x1] =	stream.linear.gather [hbm4b:s22+s3], $0x1400, $0x38;
	[tilespmem:$0xC4E0] =	vst v63  }
0x3a: {  	s23 =	sadd.s32 s20, s9;
	s20 =	smov.u32 s25  }
0x3b: {  	[tilespmem:s14], [sflag:$0x2] =	stream.linear.gather [hbm4b:s23+s3], $0x50, $0x38;
	[tilespmem:$0xC4E0] =	vst v63  }
0x3c: {  	_ = 	snop  }
0x3d: {  	[tilespmem:s15], [sflag:$0x2] =	stream.linear.gather [hbm4b:s21+s3], $0x1400, $0x38;
	[tilespmem:$0xC4E0] =	vst v63  }
0x3e: {  	_ =	swait.ge [sflag:s16], $0x50  }
0x3f: {  	[sflag:s16] =	ssyncset.done $0x0  }
0x40: {  	[sflag:s16] =	ssyncadd.s32 $0xFFFFFFB0  }
0x41: {  	_ =	swait.ge [sflag:s16], $0x1400  }
0x42: {  	[sflag:s16] =	ssyncset.done $0x0  }
0x43: {  	[sflag:s16] =	ssyncadd.s32 $0xFFFFEC00  }
0x44: {  	[spmem:s2] =	stream.indirect.scatter.add.f32 [tilespmem:s13], [sflag:$0x3], $0x40, s3, s14, $0xb8;
	[tilespmem:$0xC4E0] =	vst v63  }
0x45: {  	_ =	swait.ge [sflag:s17], $0x1400  }
0x46: {  	[sflag:s17] =	ssyncset.done $0x0  }
0x47: {  	[sflag:s17] =	ssyncadd.s32 $0xFFFFEC00  }
0x48: {  	_ =	swait.ge [sflag:s18], $0x50  }
0x49: {  	[sflag:s18] =	ssyncset.done $0x0  }
0x4a: {  	[sflag:s18] =	ssyncadd.s32 $0xFFFFFFB0  }
0x4b: {  	_ =	swait.ge [sflag:s18], $0x1400  }
.Ltmp0:
0x4c: {  	[sflag:s18] =	ssyncset.done $0x0;
	(pc) =	sbr.rel @p1 .LBB2_2-.Ltmp0, $4  }
0x4d: {  	[sflag:s18] =	ssyncadd.s32 $0xFFFFEC00  }
0x4e: {  	[spmem:s2] =	stream.indirect.scatter.add.f32 [tilespmem:s15], [sflag:$0x3], $0x40, s14, s14, $0xb8;
	[tilespmem:$0xC4E0] =	vst v63  }
0x4f: {  	s22 =	sadd.s32 $0x500, s22;
	_ =	swait.ge [sflag:s17], $0x1400  }
0x50: {  	s23 =	smov.u32 s26;
	s21 =	sadd.s32 $0x500, s21;
	[sflag:s17] =	ssyncset.done $0x0  }
0x51: {  	s23 =	sadd.s32 s20, s11;
	[sflag:s17] =	ssyncadd.s32 $0xFFFFEC00  }
0x52: {  	[tilespmem:s3], [sflag:$0x1] =	stream.linear.gather [hbm4b:s23+s3], $0x50, $0x38;
	[tilespmem:$0xC4E0] =	vst v63  }
0x53: {  	_ = 	snop  }
0x54: {  	[tilespmem:s13], [sflag:$0x1] =	stream.linear.gather [hbm4b:s22+s3], $0x1400, $0x38;
	[tilespmem:$0xC4E0] =	vst v63  }
0x55: {  	s31 =	sadd.s32 s20, s9  }
0x56: {  	[tilespmem:s14], [sflag:$0x2] =	stream.linear.gather [hbm4b:s31+s3], $0x50, $0x38;
	[tilespmem:$0xC4E0] =	vst v63  }
0x57: {  	_ = 	snop  }
0x58: {  	[tilespmem:s15], [sflag:$0x2] =	stream.linear.gather [hbm4b:s21+s3], $0x1400, $0x38;
	[tilespmem:$0xC4E0] =	vst v63  }
0x59: {  	_ =	swait.ge [sflag:s16], $0x50  }
0x5a: {  	[sflag:s16] =	ssyncset.done $0x0  }
0x5b: {  	[sflag:s16] =	ssyncadd.s32 $0xFFFFFFB0  }
0x5c: {  	_ =	swait.ge [sflag:s16], $0x1400  }
0x5d: {  	[sflag:s16] =	ssyncset.done $0x0  }
0x5e: {  	[sflag:s16] =	ssyncadd.s32 $0xFFFFEC00  }
0x5f: {  	[spmem:s2] =	stream.indirect.scatter.add.f32 [tilespmem:s13], [sflag:$0x3], $0x40, s3, s14, $0xb8;
	[tilespmem:$0xC4E0] =	vst v63  }
0x60: {  	_ =	swait.ge [sflag:s17], $0x1400  }
0x61: {  	[sflag:s17] =	ssyncset.done $0x0  }
0x62: {  	[sflag:s17] =	ssyncadd.s32 $0xFFFFEC00  }
0x63: {  	_ =	swait.ge [sflag:s18], $0x50  }
0x64: {  	[sflag:s18] =	ssyncset.done $0x0  }
0x65: {  	[sflag:s18] =	ssyncadd.s32 $0xFFFFFFB0  }
0x66: {  	_ =	swait.ge [sflag:s18], $0x1400  }
0x67: {  	[sflag:s18] =	ssyncset.done $0x0  }
0x68: {  	[sflag:s18] =	ssyncadd.s32 $0xFFFFEC00  }
0x69: {  	[spmem:s2] =	stream.indirect.scatter.add.f32 [tilespmem:s15], [sflag:$0x3], $0x40, s14, s14, $0xb8;
	[tilespmem:$0xC4E0] =	vst v63  }
0x6a: {  	_ =	swait.ge [sflag:s17], $0x1400  }
0x6b: {  	[sflag:s17] =	ssyncset.done $0x0  }
0x6c: {  	[sflag:s17] =	ssyncadd.s32 $0xFFFFEC00  }
0x6d: {  	[tilespmem:s3], [sflag:$0x1] =	stream.linear.gather [hbm4b:s4+s3], $0x50, $0x38;
	[tilespmem:$0xC4E0] =	vst v63  }
0x6e: {  	_ = 	snop  }
0x6f: {  	[tilespmem:s13], [sflag:$0x1] =	stream.linear.gather [hbm4b:s5+s3], $0x1400, $0x38;
	[tilespmem:$0xC4E0] =	vst v63  }
0x70: {  	_ =	swait.ge [sflag:s16], $0x50  }
0x71: {  	[sflag:s16] =	ssyncset.done $0x0  }
0x72: {  	[sflag:s16] =	ssyncadd.s32 $0xFFFFFFB0  }
0x73: {  	_ =	swait.ge [sflag:s16], $0x1400  }
0x74: {  	[sflag:s16] =	ssyncset.done $0x0  }
0x75: {  	[sflag:s16] =	ssyncadd.s32 $0xFFFFEC00  }
0x76: {  	[spmem:s2] =	stream.indirect.scatter.add.f32 [tilespmem:s13], [sflag:$0x3], $0x40, s3, s14, $0xb8;
	[tilespmem:$0xC4E0] =	vst v63  }
0x77: {  	_ =	swait.ge [sflag:s17], $0x1400  }
0x78: {  	[sflag:s17] =	ssyncset.done $0x0  }
0x79: {  	s19 =	sadd.s32 $0x1, s19;
	[sflag:s17] =	ssyncadd.s32 $0xFFFFEC00  }
0x7a: {  	s20 =	simm.s32 @!p0 $0x1C03;
	p1 =	sne.s32 s19, s7;
	[bflag:$0x0] =	sbarrier.arrive $0xFFFF  }
0x7b: {  	[hbm:s6], [sflag:s20] =	dma.local @!p0 [spmem:s12], $0x13880  }
.Ltmp1:
0x7c: {  	_ = 	snop;
	(pc) =	sbr.rel @p1 .LBB2_1-.Ltmp1, $4  }
0x7d: {  	s20 =	simm.s32 @!p0 $0x3  }
0x7e: {  	_ =	swait.ge @!p0 [sflag:s20], $0x13880  }
0x7f: {  	[sflag:s20] =	ssyncset.done @!p0 $0x0  }
0x80: {  	[sflag:s20] =	ssyncadd.s32 @!p0 $0xFFFEC780  }
0x81: {  	_ =	sfence.sel $0x180000  }
0x82: {  	[bflag:$0x0] =	sbarrier.arrive $0xFFFF  }
0x83: {  	_ =	strace $0x9000004A  }
0x84: {  	s0 =	sadd.s32 @!p0 $0x100000, s0;
	[bflag:$0x2] =	sbarrier.arrive $0xFFFF  }
0x85: {  	[sflag:s0] =	ssyncadd.tile.s32 @!p0 $0x1;
	_ =	shalt  }
.Lfunc_end2:
_tile_overlayer_lowered:
.L_overlay_start_2:
0x86: {  	(tag) =	ssettag $0x2  }
0x87: {  	s0 =	rddreg [dreg:$0x0];
	s2 =	stileid.u32  }
0x88: {  	s1 =	rddreg [dreg:$0x1];
	p0 =	sne.s32 s2, $0x0  }
0x89: {  	s3 =	rddreg [dreg:$0x2];
	[bflag:$0x3] =	sbarrier.arrive $0xFFFF;
	s2 =	simm.s32 @!p0 $0x1C03  }
0x8a: {  	[timem:s3], [sflag:s2] =	dma.local @!p0 [hbm:s0], s1  }
0x8b: {  	s0 =	simm.s32 @!p0 $0x3  }
0x8c: {  	_ =	swait.ge @!p0 [sflag:s0], s1  }
0x8d: {  	s1 =	ssub.s32 @!p0 $0x0, s1;
	[sflag:s0] =	ssyncset.done @!p0 $0x0  }
0x8e: {  	[sflag:s0] =	ssyncadd.s32 @!p0 s1  }
0x8f: {  	[bflag:$0x3] =	sbarrier.arrive $0xFFFF  }
0x90: {  	_ =	shalt  }

</sc_bundles>
